<compile_context>
chip_gen: v7x
topology: tpu7x:2x2x1
jax: 0.10.2.dev20260603
libtpu: 0.0.44.dev20260713+nightly
codegen_flags: <defaults>
</compile_context>

<pallas_src>
import functools

import jax
import jax.numpy as jnp
from jax import lax
from jax.experimental import pallas as pl
from jax.experimental.pallas import tpu as pltpu
from jax.experimental.pallas import tpu_sc as plsc

L = 16
NC, NS = 1, 16
NW = NC * NS
B = 16384
BPW = B // NW
V = 100
VPAD = 112
NT = VPAD // L
SG = VPAD + L


def _body(stage_hbm, idx_hbm, out_hbm, stage_v, idx_v, out_v, sem1, sem2):
    wid = lax.axis_index("s") * NC + lax.axis_index("c")
    base = wid * BPW

    cp_idx = pltpu.async_copy(idx_hbm.at[pl.ds(base, BPW)], idx_v, sem1)
    cp_stage = pltpu.async_copy(stage_hbm, stage_v, sem2)
    cp_stage.wait()

    wv = stage_v[pl.ds(VPAD, L)]
    w1 = jnp.full((L,), wv[0], jnp.float32)
    b1 = jnp.full((L,), wv[1], jnp.float32)
    w2 = jnp.full((L,), wv[2], jnp.float32)
    b2 = jnp.full((L,), wv[3], jnp.float32)

    ftab = []
    for t in range(NT):
        x = stage_v[pl.ds(t * L, L)]
        ftab.append(w2 * jnp.maximum(w1 * x + b1, 0.0) + b2)

    cp_idx.wait()

    UNROLL = 4

    def step(i, carry):
        for u in range(UNROLL):
            off = i * (UNROLL * L) + u * L
            idx = idx_v[pl.ds(off, L)]
            lane = lax.bitwise_and(idx, L - 1)
            grp = lax.shift_right_logical(idx, 4)
            acc = ftab[0].at[lane].get(mode="promise_in_bounds")
            for t in range(1, NT):
                g = ftab[t].at[lane].get(mode="promise_in_bounds")
                acc = jnp.where(grp == t, g, acc)
            out_v[pl.ds(off, L)] = acc
        return carry

    lax.fori_loop(0, BPW // (UNROLL * L), step, 0, unroll=False)

    pltpu.sync_copy(out_v, out_hbm.at[pl.ds(base, BPW)])


@jax.jit
def _run(stage, idx):
    mesh = plsc.VectorSubcoreMesh(core_axis_name="c", subcore_axis_name="s",
                                  num_cores=NC)
    return pl.kernel(
        _body,
        out_type=jax.ShapeDtypeStruct((B,), jnp.float32),
        mesh=mesh,
        scratch_types=[
            pltpu.VMEM((SG,), jnp.float32),
            pltpu.VMEM((BPW,), jnp.int32),
            pltpu.VMEM((BPW,), jnp.float32),
            pltpu.SemaphoreType.DMA,
            pltpu.SemaphoreType.DMA,
        ],
    )(stage, idx)


def kernel(t_list, t_hscore, W1, b1, W2, b2):
    stage = jnp.concatenate([
        t_hscore.astype(jnp.float32),
        jnp.zeros((VPAD - V,), jnp.float32),
        W1.reshape((1,)).astype(jnp.float32),
        b1.reshape((1,)).astype(jnp.float32),
        W2.reshape((1,)).astype(jnp.float32),
        b2.reshape((1,)).astype(jnp.float32),
        jnp.zeros((L - 4,), jnp.float32),
    ])
    return _run(stage, t_list.astype(jnp.int32))

# --- scband reference (transcript-rebuilt; emitter-appended) ---
"""Pipeline reference for scband-get-k-from-hscore-38190849196692 (READ-ONLY COPY).

The authoritative reference and input builder live on the scoring server;
editing this copy changes nothing except your own understanding.
"""

import jax, jax.numpy as jnp
import numpy as np


def setup_inputs(seed: int = 0) -> dict:
    key = jax.random.key(seed)
    k1, k2, k3, k4, k5 = jax.random.split(key, 5)
    t_list = jax.random.randint(k1, (16384,), 0, 100)
    t_hscore = jnp.asarray(np.arange(100, dtype=np.float32) / 100.0)
    W1 = jax.random.normal(k2, (1, 1), dtype=jnp.float32) * 0.5
    b1 = jax.random.normal(k3, (1,), dtype=jnp.float32) * 0.1
    W2 = jax.random.normal(k4, (1, 1), dtype=jnp.float32) * 0.5
    b2 = jax.random.normal(k5, (1,), dtype=jnp.float32) * 0.1
    return {"t_list": t_list, "t_hscore": t_hscore, "W1": W1, "b1": b1, "W2": W2, "b2": b2}


def reference(t_list, t_hscore, W1, b1, W2, b2):
    # per-index scalar lookup (the python loop in torch is a gather)
    hs = jnp.take(t_hscore, t_list)[:, None]          # [B, 1]
    l1 = hs @ W1.T + b1                                # Linear(1,1)
    act = jax.nn.relu(l1)
    k = act @ W2.T + b2                                # Linear(1,1)
    return k[:, 0]                                     # squeeze(1)

if __name__ == "__main__":
    import jax
    _d = setup_inputs()
    print(jax.jit(kernel)(*tuple(_d.values())))

</pallas_src>

<mosaic_0001>
#map = affine_map<(d0, d1) -> (0)>
module attributes {stable_mosaic.version = 14 : i64} {
  func.func @_body(%arg0: i32, %arg1: i32, %arg2: memref<128xf32, #tpu.memory_space<hbm>>, %arg3: memref<16384xi32, #tpu.memory_space<hbm>>, %arg4: memref<16384xf32, #tpu.memory_space<hbm>>, %arg5: memref<128xf32, #tpu.memory_space<vmem>>, %arg6: memref<1024xi32, #tpu.memory_space<vmem>>, %arg7: memref<1024xf32, #tpu.memory_space<vmem>>, %arg8: memref<!tpu.dma_semaphore, #tpu.memory_space<semaphore_mem>>, %arg9: memref<!tpu.dma_semaphore, #tpu.memory_space<semaphore_mem>>) attributes {dimension_semantics = [#tpu.dimension_semantics<core_parallel>, #tpu.dimension_semantics<subcore_parallel>], iteration_bounds = array<i64: 1, 16>, scalar_prefetch = 0 : i64, scratch_operands = 5 : i64, tpu.core_type = #tpu.core_type<sc_vector_subcore>, window_params = [{transform_indices = #map}, {transform_indices = #map}, {transform_indices = #map}]} {
    %mul3A = arith.constant 1 : i32
    %mul3A_0 = arith.muli %arg1, %mul3A : i32
    %add3A = arith.addi %mul3A_0, %arg0 : i32
    %mul3A_1 = arith.constant 1024 : i32
    %mul3A_2 = arith.muli %add3A, %mul3A_1 : i32
    %dma_start3A = tpu.memref_slice %arg3[%mul3A_2] : memref<16384xi32, #tpu.memory_space<hbm>> -> memref<1024xi32, #tpu.memory_space<hbm>>
    %dma_start3A_3 = tpu.memref_slice %arg3[%mul3A_2] : memref<16384xi32, #tpu.memory_space<hbm>> -> memref<1024xi32, #tpu.memory_space<hbm>>
    tpu.enqueue_dma source(%dma_start3A_3 : memref<1024xi32, #tpu.memory_space<hbm>>) target(%arg6 : memref<1024xi32, #tpu.memory_space<vmem>>) target_semaphore(%arg8 : memref<!tpu.dma_semaphore, #tpu.memory_space<semaphore_mem>>)
    tpu.enqueue_dma source(%arg2 : memref<128xf32, #tpu.memory_space<hbm>>) target(%arg5 : memref<128xf32, #tpu.memory_space<vmem>>) target_semaphore(%arg9 : memref<!tpu.dma_semaphore, #tpu.memory_space<semaphore_mem>>)
    tpu.wait_dma2 semaphore(%arg9 : memref<!tpu.dma_semaphore, #tpu.memory_space<semaphore_mem>>) src(%arg2 : memref<128xf32, #tpu.memory_space<hbm>>) dst(%arg5 : memref<128xf32, #tpu.memory_space<vmem>>)
    %get3A = arith.constant 112 : index
    %get3A_4 = tpu.vector_load %arg5[%get3A] {strides = array<i32>} : memref<128xf32, #tpu.memory_space<vmem>>, vector<16xf32>,
    %get3A_5 = vector.shape_cast %get3A_4 : vector<16xf32> to vector<16xf32>
    %slice3A = vector.extract_strided_slice %get3A_5 {offsets = [0], sizes = [1], strides = [1]} : vector<16xf32> to vector<1xf32>
    %squeeze3A = vector.extract %slice3A[0] : f32 from vector<1xf32>
    %broadcast_in_dim3A = vector.broadcast %squeeze3A : f32 to vector<16xf32>
    %slice3A_6 = vector.extract_strided_slice %get3A_5 {offsets = [1], sizes = [1], strides = [1]} : vector<16xf32> to vector<1xf32>
    %squeeze3A_7 = vector.extract %slice3A_6[0] : f32 from vector<1xf32>
    %broadcast_in_dim3A_8 = vector.broadcast %squeeze3A_7 : f32 to vector<16xf32>
    %slice3A_9 = vector.extract_strided_slice %get3A_5 {offsets = [2], sizes = [1], strides = [1]} : vector<16xf32> to vector<1xf32>
    %squeeze3A_10 = vector.extract %slice3A_9[0] : f32 from vector<1xf32>
    %broadcast_in_dim3A_11 = vector.broadcast %squeeze3A_10 : f32 to vector<16xf32>
    %slice3A_12 = vector.extract_strided_slice %get3A_5 {offsets = [3], sizes = [1], strides = [1]} : vector<16xf32> to vector<1xf32>
    %squeeze3A_13 = vector.extract %slice3A_12[0] : f32 from vector<1xf32>
    %broadcast_in_dim3A_14 = vector.broadcast %squeeze3A_13 : f32 to vector<16xf32>
    %get3A_15 = arith.constant 0 : index
    %get3A_16 = tpu.vector_load %arg5[%get3A_15] {strides = array<i32>} : memref<128xf32, #tpu.memory_space<vmem>>, vector<16xf32>,
    %get3A_17 = vector.shape_cast %get3A_16 : vector<16xf32> to vector<16xf32>
    %mul3A_18 = arith.mulf %broadcast_in_dim3A, %get3A_17 : vector<16xf32>
    %add3A_19 = arith.addf %mul3A_18, %broadcast_in_dim3A_8 : vector<16xf32>
    %max3A = arith.constant 0.000000e+00 : f32
    %max3A_20 = vector.broadcast %max3A : f32 to vector<16xf32>
    %max3A_21 = arith.maximumf %add3A_19, %max3A_20 : vector<16xf32>
    %mul3A_22 = arith.mulf %broadcast_in_dim3A_11, %max3A_21 : vector<16xf32>
    %add3A_23 = arith.addf %mul3A_22, %broadcast_in_dim3A_14 : vector<16xf32>
    %get3A_24 = arith.constant 16 : index
    %get3A_25 = tpu.vector_load %arg5[%get3A_24] {strides = array<i32>} : memref<128xf32, #tpu.memory_space<vmem>>, vector<16xf32>,
    %get3A_26 = vector.shape_cast %get3A_25 : vector<16xf32> to vector<16xf32>
    %mul3A_27 = arith.mulf %broadcast_in_dim3A, %get3A_26 : vector<16xf32>
    %add3A_28 = arith.addf %mul3A_27, %broadcast_in_dim3A_8 : vector<16xf32>
    %max3A_29 = arith.constant 0.000000e+00 : f32
    %max3A_30 = vector.broadcast %max3A_29 : f32 to vector<16xf32>
    %max3A_31 = arith.maximumf %add3A_28, %max3A_30 : vector<16xf32>
    %mul3A_32 = arith.mulf %broadcast_in_dim3A_11, %max3A_31 : vector<16xf32>
    %add3A_33 = arith.addf %mul3A_32, %broadcast_in_dim3A_14 : vector<16xf32>
    %get3A_34 = arith.constant 32 : index
    %get3A_35 = tpu.vector_load %arg5[%get3A_34] {strides = array<i32>} : memref<128xf32, #tpu.memory_space<vmem>>, vector<16xf32>,
    %get3A_36 = vector.shape_cast %get3A_35 : vector<16xf32> to vector<16xf32>
    %mul3A_37 = arith.mulf %broadcast_in_dim3A, %get3A_36 : vector<16xf32>
    %add3A_38 = arith.addf %mul3A_37, %broadcast_in_dim3A_8 : vector<16xf32>
    %max3A_39 = arith.constant 0.000000e+00 : f32
    %max3A_40 = vector.broadcast %max3A_39 : f32 to vector<16xf32>
    %max3A_41 = arith.maximumf %add3A_38, %max3A_40 : vector<16xf32>
    %mul3A_42 = arith.mulf %broadcast_in_dim3A_11, %max3A_41 : vector<16xf32>
    %add3A_43 = arith.addf %mul3A_42, %broadcast_in_dim3A_14 : vector<16xf32>
    %get3A_44 = arith.constant 48 : index
    %get3A_45 = tpu.vector_load %arg5[%get3A_44] {strides = array<i32>} : memref<128xf32, #tpu.memory_space<vmem>>, vector<16xf32>,
    %get3A_46 = vector.shape_cast %get3A_45 : vector<16xf32> to vector<16xf32>
    %mul3A_47 = arith.mulf %broadcast_in_dim3A, %get3A_46 : vector<16xf32>
    %add3A_48 = arith.addf %mul3A_47, %broadcast_in_dim3A_8 : vector<16xf32>
    %max3A_49 = arith.constant 0.000000e+00 : f32
    %max3A_50 = vector.broadcast %max3A_49 : f32 to vector<16xf32>
    %max3A_51 = arith.maximumf %add3A_48, %max3A_50 : vector<16xf32>
    %mul3A_52 = arith.mulf %broadcast_in_dim3A_11, %max3A_51 : vector<16xf32>
    %add3A_53 = arith.addf %mul3A_52, %broadcast_in_dim3A_14 : vector<16xf32>
    %get3A_54 = arith.constant 64 : index
    %get3A_55 = tpu.vector_load %arg5[%get3A_54] {strides = array<i32>} : memref<128xf32, #tpu.memory_space<vmem>>, vector<16xf32>,
    %get3A_56 = vector.shape_cast %get3A_55 : vector<16xf32> to vector<16xf32>
    %mul3A_57 = arith.mulf %broadcast_in_dim3A, %get3A_56 : vector<16xf32>
    %add3A_58 = arith.addf %mul3A_57, %broadcast_in_dim3A_8 : vector<16xf32>
    %max3A_59 = arith.constant 0.000000e+00 : f32
    %max3A_60 = vector.broadcast %max3A_59 : f32 to vector<16xf32>
    %max3A_61 = arith.maximumf %add3A_58, %max3A_60 : vector<16xf32>
    %mul3A_62 = arith.mulf %broadcast_in_dim3A_11, %max3A_61 : vector<16xf32>
    %add3A_63 = arith.addf %mul3A_62, %broadcast_in_dim3A_14 : vector<16xf32>
    %get3A_64 = arith.constant 80 : index
    %get3A_65 = tpu.vector_load %arg5[%get3A_64] {strides = array<i32>} : memref<128xf32, #tpu.memory_space<vmem>>, vector<16xf32>,
    %get3A_66 = vector.shape_cast %get3A_65 : vector<16xf32> to vector<16xf32>
    %mul3A_67 = arith.mulf %broadcast_in_dim3A, %get3A_66 : vector<16xf32>
    %add3A_68 = arith.addf %mul3A_67, %broadcast_in_dim3A_8 : vector<16xf32>
    %max3A_69 = arith.constant 0.000000e+00 : f32
    %max3A_70 = vector.broadcast %max3A_69 : f32 to vector<16xf32>
    %max3A_71 = arith.maximumf %add3A_68, %max3A_70 : vector<16xf32>
    %mul3A_72 = arith.mulf %broadcast_in_dim3A_11, %max3A_71 : vector<16xf32>
    %add3A_73 = arith.addf %mul3A_72, %broadcast_in_dim3A_14 : vector<16xf32>
    %get3A_74 = arith.constant 96 : index
    %get3A_75 = tpu.vector_load %arg5[%get3A_74] {strides = array<i32>} : memref<128xf32, #tpu.memory_space<vmem>>, vector<16xf32>,
    %get3A_76 = vector.shape_cast %get3A_75 : vector<16xf32> to vector<16xf32>
    %mul3A_77 = arith.mulf %broadcast_in_dim3A, %get3A_76 : vector<16xf32>
    %add3A_78 = arith.addf %mul3A_77, %broadcast_in_dim3A_8 : vector<16xf32>
    %max3A_79 = arith.constant 0.000000e+00 : f32
    %max3A_80 = vector.broadcast %max3A_79 : f32 to vector<16xf32>
    %max3A_81 = arith.maximumf %add3A_78, %max3A_80 : vector<16xf32>
    %mul3A_82 = arith.mulf %broadcast_in_dim3A_11, %max3A_81 : vector<16xf32>
    %add3A_83 = arith.addf %mul3A_82, %broadcast_in_dim3A_14 : vector<16xf32>
    %dma_wait3A = tpu.memref_slice %arg3[%mul3A_2] : memref<16384xi32, #tpu.memory_space<hbm>> -> memref<1024xi32, #tpu.memory_space<hbm>>
    %dma_wait3A_84 = tpu.memref_slice %arg3[%mul3A_2] : memref<16384xi32, #tpu.memory_space<hbm>> -> memref<1024xi32, #tpu.memory_space<hbm>>
    tpu.wait_dma2 semaphore(%arg8 : memref<!tpu.dma_semaphore, #tpu.memory_space<semaphore_mem>>) src(%dma_wait3A_84 : memref<1024xi32, #tpu.memory_space<hbm>>) dst(%arg6 : memref<1024xi32, #tpu.memory_space<vmem>>)
    %scan3A = arith.constant 0 : i32
    %scan3A_85 = arith.constant 0 : i32
    %scan3A_86 = arith.constant 16 : i32
    %scan3A_87 = arith.addi %scan3A_85, %scan3A_86 : i32
    %scan3A_88 = arith.constant 1 : i32
    scf.for %scan3A_90 = %scan3A_85 to %scan3A_87 step %scan3A_88  : i32 {
      %mul3A_91 = arith.constant 64 : i32
      %mul3A_92 = arith.muli %scan3A_90, %mul3A_91 : i32
      %add3A_93 = arith.constant 0 : i32
      %add3A_94 = arith.addi %mul3A_92, %add3A_93 : i32
      %get3A_95 = arith.index_cast %add3A_94 : i32 to index
      %get3A_96 = tpu.vector_load %arg6[%get3A_95] {strides = array<i32>} : memref<1024xi32, #tpu.memory_space<vmem>>, vector<16xi32>,
      %get3A_97 = vector.shape_cast %get3A_96 : vector<16xi32> to vector<16xi32>
      %and3A = arith.constant 15 : i32
      %and3A_98 = vector.broadcast %and3A : i32 to vector<16xi32>
      %and3A_99 = arith.andi %get3A_97, %and3A_98 : vector<16xi32>
      %shift_right_logical3A = arith.constant 4 : i32
      %shift_right_logical3A_100 = vector.broadcast %shift_right_logical3A : i32 to vector<16xi32>
      %shift_right_logical3A_101 = arith.shrui %get3A_97, %shift_right_logical3A_100 : vector<16xi32>
      %lt3A = arith.constant 0 : i32
      %lt3A_102 = vector.broadcast %lt3A : i32 to vector<16xi32>
      %lt3A_103 = arith.cmpi slt, %and3A_99, %lt3A_102 : vector<16xi32>
      %add3A_104 = arith.constant 16 : i32
      %add3A_105 = vector.broadcast %add3A_104 : i32 to vector<16xi32>
      %add3A_106 = arith.addi %and3A_99, %add3A_105 : vector<16xi32>
      %select_n3A = arith.select %lt3A_103, %add3A_106, %and3A_99 : vector<16xi1>, vector<16xi32>
      %broadcast_in_dim3A_107 = vector.shape_cast %select_n3A : vector<16xi32> to vector<16x1xi32>
      %gather3A = vector.shape_cast %broadcast_in_dim3A_107 : vector<16x1xi32> to vector<16xi32>
      %gather3A_108 = tpu.dynamic_gather %add3A_23[%gather3A] in [0] : vector<16xf32>, vector<16xi32> -> vector<16xf32>
      %lt3A_109 = arith.constant 0 : i32
      %lt3A_110 = vector.broadcast %lt3A_109 : i32 to vector<16xi32>
      %lt3A_111 = arith.cmpi slt, %and3A_99, %lt3A_110 : vector<16xi32>
      %add3A_112 = arith.constant 16 : i32
      %add3A_113 = vector.broadcast %add3A_112 : i32 to vector<16xi32>
      %add3A_114 = arith.addi %and3A_99, %add3A_113 : vector<16xi32>
      %select_n3A_115 = arith.select %lt3A_111, %add3A_114, %and3A_99 : vector<16xi1>, vector<16xi32>
      %broadcast_in_dim3A_116 = vector.shape_cast %select_n3A_115 : vector<16xi32> to vector<16x1xi32>
      %gather3A_117 = vector.shape_cast %broadcast_in_dim3A_116 : vector<16x1xi32> to vector<16xi32>
      %gather3A_118 = tpu.dynamic_gather %add3A_33[%gather3A_117] in [0] : vector<16xf32>, vector<16xi32> -> vector<16xf32>
      %eq3A = arith.constant 1 : i32
      %eq3A_119 = vector.broadcast %eq3A : i32 to vector<16xi32>
      %eq3A_120 = arith.cmpi eq, %shift_right_logical3A_101, %eq3A_119 : vector<16xi32>
      %select_n3A_121 = arith.select %eq3A_120, %gather3A_118, %gather3A_108 : vector<16xi1>, vector<16xf32>
      %lt3A_122 = arith.constant 0 : i32
      %lt3A_123 = vector.broadcast %lt3A_122 : i32 to vector<16xi32>
      %lt3A_124 = arith.cmpi slt, %and3A_99, %lt3A_123 : vector<16xi32>
      %add3A_125 = arith.constant 16 : i32
      %add3A_126 = vector.broadcast %add3A_125 : i32 to vector<16xi32>
      %add3A_127 = arith.addi %and3A_99, %add3A_126 : vector<16xi32>
      %select_n3A_128 = arith.select %lt3A_124, %add3A_127, %and3A_99 : vector<16xi1>, vector<16xi32>
      %broadcast_in_dim3A_129 = vector.shape_cast %select_n3A_128 : vector<16xi32> to vector<16x1xi32>
      %gather3A_130 = vector.shape_cast %broadcast_in_dim3A_129 : vector<16x1xi32> to vector<16xi32>
      %gather3A_131 = tpu.dynamic_gather %add3A_43[%gather3A_130] in [0] : vector<16xf32>, vector<16xi32> -> vector<16xf32>
      %eq3A_132 = arith.constant 2 : i32
      %eq3A_133 = vector.broadcast %eq3A_132 : i32 to vector<16xi32>
      %eq3A_134 = arith.cmpi eq, %shift_right_logical3A_101, %eq3A_133 : vector<16xi32>
      %select_n3A_135 = arith.select %eq3A_134, %gather3A_131, %select_n3A_121 : vector<16xi1>, vector<16xf32>
      %lt3A_136 = arith.constant 0 : i32
      %lt3A_137 = vector.broadcast %lt3A_136 : i32 to vector<16xi32>
      %lt3A_138 = arith.cmpi slt, %and3A_99, %lt3A_137 : vector<16xi32>
      %add3A_139 = arith.constant 16 : i32
      %add3A_140 = vector.broadcast %add3A_139 : i32 to vector<16xi32>
      %add3A_141 = arith.addi %and3A_99, %add3A_140 : vector<16xi32>
      %select_n3A_142 = arith.select %lt3A_138, %add3A_141, %and3A_99 : vector<16xi1>, vector<16xi32>
      %broadcast_in_dim3A_143 = vector.shape_cast %select_n3A_142 : vector<16xi32> to vector<16x1xi32>
      %gather3A_144 = vector.shape_cast %broadcast_in_dim3A_143 : vector<16x1xi32> to vector<16xi32>
      %gather3A_145 = tpu.dynamic_gather %add3A_53[%gather3A_144] in [0] : vector<16xf32>, vector<16xi32> -> vector<16xf32>
      %eq3A_146 = arith.constant 3 : i32
      %eq3A_147 = vector.broadcast %eq3A_146 : i32 to vector<16xi32>
      %eq3A_148 = arith.cmpi eq, %shift_right_logical3A_101, %eq3A_147 : vector<16xi32>
      %select_n3A_149 = arith.select %eq3A_148, %gather3A_145, %select_n3A_135 : vector<16xi1>, vector<16xf32>
      %lt3A_150 = arith.constant 0 : i32
      %lt3A_151 = vector.broadcast %lt3A_150 : i32 to vector<16xi32>
      %lt3A_152 = arith.cmpi slt, %and3A_99, %lt3A_151 : vector<16xi32>
      %add3A_153 = arith.constant 16 : i32
      %add3A_154 = vector.broadcast %add3A_153 : i32 to vector<16xi32>
      %add3A_155 = arith.addi %and3A_99, %add3A_154 : vector<16xi32>
      %select_n3A_156 = arith.select %lt3A_152, %add3A_155, %and3A_99 : vector<16xi1>, vector<16xi32>
      %broadcast_in_dim3A_157 = vector.shape_cast %select_n3A_156 : vector<16xi32> to vector<16x1xi32>
      %gather3A_158 = vector.shape_cast %broadcast_in_dim3A_157 : vector<16x1xi32> to vector<16xi32>
      %gather3A_159 = tpu.dynamic_gather %add3A_63[%gather3A_158] in [0] : vector<16xf32>, vector<16xi32> -> vector<16xf32>
      %eq3A_160 = arith.constant 4 : i32
      %eq3A_161 = vector.broadcast %eq3A_160 : i32 to vector<16xi32>
      %eq3A_162 = arith.cmpi eq, %shift_right_logical3A_101, %eq3A_161 : vector<16xi32>
      %select_n3A_163 = arith.select %eq3A_162, %gather3A_159, %select_n3A_149 : vector<16xi1>, vector<16xf32>
      %lt3A_164 = arith.constant 0 : i32
      %lt3A_165 = vector.broadcast %lt3A_164 : i32 to vector<16xi32>
      %lt3A_166 = arith.cmpi slt, %and3A_99, %lt3A_165 : vector<16xi32>
      %add3A_167 = arith.constant 16 : i32
      %add3A_168 = vector.broadcast %add3A_167 : i32 to vector<16xi32>
      %add3A_169 = arith.addi %and3A_99, %add3A_168 : vector<16xi32>
      %select_n3A_170 = arith.select %lt3A_166, %add3A_169, %and3A_99 : vector<16xi1>, vector<16xi32>
      %broadcast_in_dim3A_171 = vector.shape_cast %select_n3A_170 : vector<16xi32> to vector<16x1xi32>
      %gather3A_172 = vector.shape_cast %broadcast_in_dim3A_171 : vector<16x1xi32> to vector<16xi32>
      %gather3A_173 = tpu.dynamic_gather %add3A_73[%gather3A_172] in [0] : vector<16xf32>, vector<16xi32> -> vector<16xf32>
      %eq3A_174 = arith.constant 5 : i32
      %eq3A_175 = vector.broadcast %eq3A_174 : i32 to vector<16xi32>
      %eq3A_176 = arith.cmpi eq, %shift_right_logical3A_101, %eq3A_175 : vector<16xi32>
      %select_n3A_177 = arith.select %eq3A_176, %gather3A_173, %select_n3A_163 : vector<16xi1>, vector<16xf32>
      %lt3A_178 = arith.constant 0 : i32
      %lt3A_179 = vector.broadcast %lt3A_178 : i32 to vector<16xi32>
      %lt3A_180 = arith.cmpi slt, %and3A_99, %lt3A_179 : vector<16xi32>
      %add3A_181 = arith.constant 16 : i32
      %add3A_182 = vector.broadcast %add3A_181 : i32 to vector<16xi32>
      %add3A_183 = arith.addi %and3A_99, %add3A_182 : vector<16xi32>
      %select_n3A_184 = arith.select %lt3A_180, %add3A_183, %and3A_99 : vector<16xi1>, vector<16xi32>
      %broadcast_in_dim3A_185 = vector.shape_cast %select_n3A_184 : vector<16xi32> to vector<16x1xi32>
      %gather3A_186 = vector.shape_cast %broadcast_in_dim3A_185 : vector<16x1xi32> to vector<16xi32>
      %gather3A_187 = tpu.dynamic_gather %add3A_83[%gather3A_186] in [0] : vector<16xf32>, vector<16xi32> -> vector<16xf32>
      %eq3A_188 = arith.constant 6 : i32
      %eq3A_189 = vector.broadcast %eq3A_188 : i32 to vector<16xi32>
      %eq3A_190 = arith.cmpi eq, %shift_right_logical3A_101, %eq3A_189 : vector<16xi32>
      %select_n3A_191 = arith.select %eq3A_190, %gather3A_187, %select_n3A_177 : vector<16xi1>, vector<16xf32>
      %swap3A = arith.index_cast %add3A_94 : i32 to index
      %swap3A_192 = tpu.vector_load %arg7[%swap3A] {strides = array<i32>} : memref<1024xf32, #tpu.memory_space<vmem>>, vector<16xf32>,
      %swap3A_193 = vector.shape_cast %swap3A_192 : vector<16xf32> to vector<16xf32>
      %swap3A_194 = vector.shape_cast %select_n3A_191 : vector<16xf32> to vector<16xf32>
      tpu.vector_store %arg7[%swap3A], %swap3A_194 {strides = array<i32>} : memref<1024xf32, #tpu.memory_space<vmem>>, vector<16xf32>,
      %mul3A_195 = arith.constant 64 : i32
      %mul3A_196 = arith.muli %scan3A_90, %mul3A_195 : i32
      %add3A_197 = arith.constant 16 : i32
      %add3A_198 = arith.addi %mul3A_196, %add3A_197 : i32
      %get3A_199 = arith.index_cast %add3A_198 : i32 to index
      %get3A_200 = tpu.vector_load %arg6[%get3A_199] {strides = array<i32>} : memref<1024xi32, #tpu.memory_space<vmem>>, vector<16xi32>,
      %get3A_201 = vector.shape_cast %get3A_200 : vector<16xi32> to vector<16xi32>
      %and3A_202 = arith.constant 15 : i32
      %and3A_203 = vector.broadcast %and3A_202 : i32 to vector<16xi32>
      %and3A_204 = arith.andi %get3A_201, %and3A_203 : vector<16xi32>
      %shift_right_logical3A_205 = arith.constant 4 : i32
      %shift_right_logical3A_206 = vector.broadcast %shift_right_logical3A_205 : i32 to vector<16xi32>
      %shift_right_logical3A_207 = arith.shrui %get3A_201, %shift_right_logical3A_206 : vector<16xi32>
      %lt3A_208 = arith.constant 0 : i32
      %lt3A_209 = vector.broadcast %lt3A_208 : i32 to vector<16xi32>
      %lt3A_210 = arith.cmpi slt, %and3A_204, %lt3A_209 : vector<16xi32>
      %add3A_211 = arith.constant 16 : i32
      %add3A_212 = vector.broadcast %add3A_211 : i32 to vector<16xi32>
      %add3A_213 = arith.addi %and3A_204, %add3A_212 : vector<16xi32>
      %select_n3A_214 = arith.select %lt3A_210, %add3A_213, %and3A_204 : vector<16xi1>, vector<16xi32>
      %broadcast_in_dim3A_215 = vector.shape_cast %select_n3A_214 : vector<16xi32> to vector<16x1xi32>
      %gather3A_216 = vector.shape_cast %broadcast_in_dim3A_215 : vector<16x1xi32> to vector<16xi32>
      %gather3A_217 = tpu.dynamic_gather %add3A_23[%gather3A_216] in [0] : vector<16xf32>, vector<16xi32> -> vector<16xf32>
      %lt3A_218 = arith.constant 0 : i32
      %lt3A_219 = vector.broadcast %lt3A_218 : i32 to vector<16xi32>
      %lt3A_220 = arith.cmpi slt, %and3A_204, %lt3A_219 : vector<16xi32>
      %add3A_221 = arith.constant 16 : i32
      %add3A_222 = vector.broadcast %add3A_221 : i32 to vector<16xi32>
      %add3A_223 = arith.addi %and3A_204, %add3A_222 : vector<16xi32>
      %select_n3A_224 = arith.select %lt3A_220, %add3A_223, %and3A_204 : vector<16xi1>, vector<16xi32>
      %broadcast_in_dim3A_225 = vector.shape_cast %select_n3A_224 : vector<16xi32> to vector<16x1xi32>
      %gather3A_226 = vector.shape_cast %broadcast_in_dim3A_225 : vector<16x1xi32> to vector<16xi32>
      %gather3A_227 = tpu.dynamic_gather %add3A_33[%gather3A_226] in [0] : vector<16xf32>, vector<16xi32> -> vector<16xf32>
      %eq3A_228 = arith.constant 1 : i32
      %eq3A_229 = vector.broadcast %eq3A_228 : i32 to vector<16xi32>
      %eq3A_230 = arith.cmpi eq, %shift_right_logical3A_207, %eq3A_229 : vector<16xi32>
      %select_n3A_231 = arith.select %eq3A_230, %gather3A_227, %gather3A_217 : vector<16xi1>, vector<16xf32>
      %lt3A_232 = arith.constant 0 : i32
      %lt3A_233 = vector.broadcast %lt3A_232 : i32 to vector<16xi32>
      %lt3A_234 = arith.cmpi slt, %and3A_204, %lt3A_233 : vector<16xi32>
      %add3A_235 = arith.constant 16 : i32
      %add3A_236 = vector.broadcast %add3A_235 : i32 to vector<16xi32>
      %add3A_237 = arith.addi %and3A_204, %add3A_236 : vector<16xi32>
      %select_n3A_238 = arith.select %lt3A_234, %add3A_237, %and3A_204 : vector<16xi1>, vector<16xi32>
      %broadcast_in_dim3A_239 = vector.shape_cast %select_n3A_238 : vector<16xi32> to vector<16x1xi32>
      %gather3A_240 = vector.shape_cast %broadcast_in_dim3A_239 : vector<16x1xi32> to vector<16xi32>
      %gather3A_241 = tpu.dynamic_gather %add3A_43[%gather3A_240] in [0] : vector<16xf32>, vector<16xi32> -> vector<16xf32>
      %eq3A_242 = arith.constant 2 : i32
      %eq3A_243 = vector.broadcast %eq3A_242 : i32 to vector<16xi32>
      %eq3A_244 = arith.cmpi eq, %shift_right_logical3A_207, %eq3A_243 : vector<16xi32>
      %select_n3A_245 = arith.select %eq3A_244, %gather3A_241, %select_n3A_231 : vector<16xi1>, vector<16xf32>
      %lt3A_246 = arith.constant 0 : i32
      %lt3A_247 = vector.broadcast %lt3A_246 : i32 to vector<16xi32>
      %lt3A_248 = arith.cmpi slt, %and3A_204, %lt3A_247 : vector<16xi32>
      %add3A_249 = arith.constant 16 : i32
      %add3A_250 = vector.broadcast %add3A_249 : i32 to vector<16xi32>
      %add3A_251 = arith.addi %and3A_204, %add3A_250 : vector<16xi32>
      %select_n3A_252 = arith.select %lt3A_248, %add3A_251, %and3A_204 : vector<16xi1>, vector<16xi32>
      %broadcast_in_dim3A_253 = vector.shape_cast %select_n3A_252 : vector<16xi32> to vector<16x1xi32>
      %gather3A_254 = vector.shape_cast %broadcast_in_dim3A_253 : vector<16x1xi32> to vector<16xi32>
      %gather3A_255 = tpu.dynamic_gather %add3A_53[%gather3A_254] in [0] : vector<16xf32>, vector<16xi32> -> vector<16xf32>
      %eq3A_256 = arith.constant 3 : i32
      %eq3A_257 = vector.broadcast %eq3A_256 : i32 to vector<16xi32>
      %eq3A_258 = arith.cmpi eq, %shift_right_logical3A_207, %eq3A_257 : vector<16xi32>
      %select_n3A_259 = arith.select %eq3A_258, %gather3A_255, %select_n3A_245 : vector<16xi1>, vector<16xf32>
      %lt3A_260 = arith.constant 0 : i32
      %lt3A_261 = vector.broadcast %lt3A_260 : i32 to vector<16xi32>
      %lt3A_262 = arith.cmpi slt, %and3A_204, %lt3A_261 : vector<16xi32>
      %add3A_263 = arith.constant 16 : i32
      %add3A_264 = vector.broadcast %add3A_263 : i32 to vector<16xi32>
      %add3A_265 = arith.addi %and3A_204, %add3A_264 : vector<16xi32>
      %select_n3A_266 = arith.select %lt3A_262, %add3A_265, %and3A_204 : vector<16xi1>, vector<16xi32>
      %broadcast_in_dim3A_267 = vector.shape_cast %select_n3A_266 : vector<16xi32> to vector<16x1xi32>
      %gather3A_268 = vector.shape_cast %broadcast_in_dim3A_267 : vector<16x1xi32> to vector<16xi32>
      %gather3A_269 = tpu.dynamic_gather %add3A_63[%gather3A_268] in [0] : vector<16xf32>, vector<16xi32> -> vector<16xf32>
      %eq3A_270 = arith.constant 4 : i32
      %eq3A_271 = vector.broadcast %eq3A_270 : i32 to vector<16xi32>
      %eq3A_272 = arith.cmpi eq, %shift_right_logical3A_207, %eq3A_271 : vector<16xi32>
      %select_n3A_273 = arith.select %eq3A_272, %gather3A_269, %select_n3A_259 : vector<16xi1>, vector<16xf32>
      %lt3A_274 = arith.constant 0 : i32
      %lt3A_275 = vector.broadcast %lt3A_274 : i32 to vector<16xi32>
      %lt3A_276 = arith.cmpi slt, %and3A_204, %lt3A_275 : vector<16xi32>
      %add3A_277 = arith.constant 16 : i32
      %add3A_278 = vector.broadcast %add3A_277 : i32 to vector<16xi32>
      %add3A_279 = arith.addi %and3A_204, %add3A_278 : vector<16xi32>
      %select_n3A_280 = arith.select %lt3A_276, %add3A_279, %and3A_204 : vector<16xi1>, vector<16xi32>
      %broadcast_in_dim3A_281 = vector.shape_cast %select_n3A_280 : vector<16xi32> to vector<16x1xi32>
      %gather3A_282 = vector.shape_cast %broadcast_in_dim3A_281 : vector<16x1xi32> to vector<16xi32>
      %gather3A_283 = tpu.dynamic_gather %add3A_73[%gather3A_282] in [0] : vector<16xf32>, vector<16xi32> -> vector<16xf32>
      %eq3A_284 = arith.constant 5 : i32
      %eq3A_285 = vector.broadcast %eq3A_284 : i32 to vector<16xi32>
      %eq3A_286 = arith.cmpi eq, %shift_right_logical3A_207, %eq3A_285 : vector<16xi32>
      %select_n3A_287 = arith.select %eq3A_286, %gather3A_283, %select_n3A_273 : vector<16xi1>, vector<16xf32>
      %lt3A_288 = arith.constant 0 : i32
      %lt3A_289 = vector.broadcast %lt3A_288 : i32 to vector<16xi32>
      %lt3A_290 = arith.cmpi slt, %and3A_204, %lt3A_289 : vector<16xi32>
      %add3A_291 = arith.constant 16 : i32
      %add3A_292 = vector.broadcast %add3A_291 : i32 to vector<16xi32>
      %add3A_293 = arith.addi %and3A_204, %add3A_292 : vector<16xi32>
      %select_n3A_294 = arith.select %lt3A_290, %add3A_293, %and3A_204 : vector<16xi1>, vector<16xi32>
      %broadcast_in_dim3A_295 = vector.shape_cast %select_n3A_294 : vector<16xi32> to vector<16x1xi32>
      %gather3A_296 = vector.shape_cast %broadcast_in_dim3A_295 : vector<16x1xi32> to vector<16xi32>
      %gather3A_297 = tpu.dynamic_gather %add3A_83[%gather3A_296] in [0] : vector<16xf32>, vector<16xi32> -> vector<16xf32>
      %eq3A_298 = arith.constant 6 : i32
      %eq3A_299 = vector.broadcast %eq3A_298 : i32 to vector<16xi32>
      %eq3A_300 = arith.cmpi eq, %shift_right_logical3A_207, %eq3A_299 : vector<16xi32>
      %select_n3A_301 = arith.select %eq3A_300, %gather3A_297, %select_n3A_287 : vector<16xi1>, vector<16xf32>
      %swap3A_302 = arith.index_cast %add3A_198 : i32 to index
      %swap3A_303 = tpu.vector_load %arg7[%swap3A_302] {strides = array<i32>} : memref<1024xf32, #tpu.memory_space<vmem>>, vector<16xf32>,
      %swap3A_304 = vector.shape_cast %swap3A_303 : vector<16xf32> to vector<16xf32>
      %swap3A_305 = vector.shape_cast %select_n3A_301 : vector<16xf32> to vector<16xf32>
      tpu.vector_store %arg7[%swap3A_302], %swap3A_305 {strides = array<i32>} : memref<1024xf32, #tpu.memory_space<vmem>>, vector<16xf32>,
      %mul3A_306 = arith.constant 64 : i32
      %mul3A_307 = arith.muli %scan3A_90, %mul3A_306 : i32
      %add3A_308 = arith.constant 32 : i32
      %add3A_309 = arith.addi %mul3A_307, %add3A_308 : i32
      %get3A_310 = arith.index_cast %add3A_309 : i32 to index
      %get3A_311 = tpu.vector_load %arg6[%get3A_310] {strides = array<i32>} : memref<1024xi32, #tpu.memory_space<vmem>>, vector<16xi32>,
      %get3A_312 = vector.shape_cast %get3A_311 : vector<16xi32> to vector<16xi32>
      %and3A_313 = arith.constant 15 : i32
      %and3A_314 = vector.broadcast %and3A_313 : i32 to vector<16xi32>
      %and3A_315 = arith.andi %get3A_312, %and3A_314 : vector<16xi32>
      %shift_right_logical3A_316 = arith.constant 4 : i32
      %shift_right_logical3A_317 = vector.broadcast %shift_right_logical3A_316 : i32 to vector<16xi32>
      %shift_right_logical3A_318 = arith.shrui %get3A_312, %shift_right_logical3A_317 : vector<16xi32>
      %lt3A_319 = arith.constant 0 : i32
      %lt3A_320 = vector.broadcast %lt3A_319 : i32 to vector<16xi32>
      %lt3A_321 = arith.cmpi slt, %and3A_315, %lt3A_320 : vector<16xi32>
      %add3A_322 = arith.constant 16 : i32
      %add3A_323 = vector.broadcast %add3A_322 : i32 to vector<16xi32>
      %add3A_324 = arith.addi %and3A_315, %add3A_323 : vector<16xi32>
      %select_n3A_325 = arith.select %lt3A_321, %add3A_324, %and3A_315 : vector<16xi1>, vector<16xi32>
      %broadcast_in_dim3A_326 = vector.shape_cast %select_n3A_325 : vector<16xi32> to vector<16x1xi32>
      %gather3A_327 = vector.shape_cast %broadcast_in_dim3A_326 : vector<16x1xi32> to vector<16xi32>
      %gather3A_328 = tpu.dynamic_gather %add3A_23[%gather3A_327] in [0] : vector<16xf32>, vector<16xi32> -> vector<16xf32>
      %lt3A_329 = arith.constant 0 : i32
      %lt3A_330 = vector.broadcast %lt3A_329 : i32 to vector<16xi32>
      %lt3A_331 = arith.cmpi slt, %and3A_315, %lt3A_330 : vector<16xi32>
      %add3A_332 = arith.constant 16 : i32
      %add3A_333 = vector.broadcast %add3A_332 : i32 to vector<16xi32>
      %add3A_334 = arith.addi %and3A_315, %add3A_333 : vector<16xi32>
      %select_n3A_335 = arith.select %lt3A_331, %add3A_334, %and3A_315 : vector<16xi1>, vector<16xi32>
      %broadcast_in_dim3A_336 = vector.shape_cast %select_n3A_335 : vector<16xi32> to vector<16x1xi32>
      %gather3A_337 = vector.shape_cast %broadcast_in_dim3A_336 : vector<16x1xi32> to vector<16xi32>
      %gather3A_338 = tpu.dynamic_gather %add3A_33[%gather3A_337] in [0] : vector<16xf32>, vector<16xi32> -> vector<16xf32>
      %eq3A_339 = arith.constant 1 : i32
      %eq3A_340 = vector.broadcast %eq3A_339 : i32 to vector<16xi32>
      %eq3A_341 = arith.cmpi eq, %shift_right_logical3A_318, %eq3A_340 : vector<16xi32>
      %select_n3A_342 = arith.select %eq3A_341, %gather3A_338, %gather3A_328 : vector<16xi1>, vector<16xf32>
      %lt3A_343 = arith.constant 0 : i32
      %lt3A_344 = vector.broadcast %lt3A_343 : i32 to vector<16xi32>
      %lt3A_345 = arith.cmpi slt, %and3A_315, %lt3A_344 : vector<16xi32>
      %add3A_346 = arith.constant 16 : i32
      %add3A_347 = vector.broadcast %add3A_346 : i32 to vector<16xi32>
      %add3A_348 = arith.addi %and3A_315, %add3A_347 : vector<16xi32>
      %select_n3A_349 = arith.select %lt3A_345, %add3A_348, %and3A_315 : vector<16xi1>, vector<16xi32>
      %broadcast_in_dim3A_350 = vector.shape_cast %select_n3A_349 : vector<16xi32> to vector<16x1xi32>
      %gather3A_351 = vector.shape_cast %broadcast_in_dim3A_350 : vector<16x1xi32> to vector<16xi32>
      %gather3A_352 = tpu.dynamic_gather %add3A_43[%gather3A_351] in [0] : vector<16xf32>, vector<16xi32> -> vector<16xf32>
      %eq3A_353 = arith.constant 2 : i32
      %eq3A_354 = vector.broadcast %eq3A_353 : i32 to vector<16xi32>
      %eq3A_355 = arith.cmpi eq, %shift_right_logical3A_318, %eq3A_354 : vector<16xi32>
      %select_n3A_356 = arith.select %eq3A_355, %gather3A_352, %select_n3A_342 : vector<16xi1>, vector<16xf32>
      %lt3A_357 = arith.constant 0 : i32
      %lt3A_358 = vector.broadcast %lt3A_357 : i32 to vector<16xi32>
      %lt3A_359 = arith.cmpi slt, %and3A_315, %lt3A_358 : vector<16xi32>
      %add3A_360 = arith.constant 16 : i32
      %add3A_361 = vector.broadcast %add3A_360 : i32 to vector<16xi32>
      %add3A_362 = arith.addi %and3A_315, %add3A_361 : vector<16xi32>
      %select_n3A_363 = arith.select %lt3A_359, %add3A_362, %and3A_315 : vector<16xi1>, vector<16xi32>
      %broadcast_in_dim3A_364 = vector.shape_cast %select_n3A_363 : vector<16xi32> to vector<16x1xi32>
      %gather3A_365 = vector.shape_cast %broadcast_in_dim3A_364 : vector<16x1xi32> to vector<16xi32>
      %gather3A_366 = tpu.dynamic_gather %add3A_53[%gather3A_365] in [0] : vector<16xf32>, vector<16xi32> -> vector<16xf32>
      %eq3A_367 = arith.constant 3 : i32
      %eq3A_368 = vector.broadcast %eq3A_367 : i32 to vector<16xi32>
      %eq3A_369 = arith.cmpi eq, %shift_right_logical3A_318, %eq3A_368 : vector<16xi32>
      %select_n3A_370 = arith.select %eq3A_369, %gather3A_366, %select_n3A_356 : vector<16xi1>, vector<16xf32>
      %lt3A_371 = arith.constant 0 : i32
      %lt3A_372 = vector.broadcast %lt3A_371 : i32 to vector<16xi32>
      %lt3A_373 = arith.cmpi slt, %and3A_315, %lt3A_372 : vector<16xi32>
      %add3A_374 = arith.constant 16 : i32
      %add3A_375 = vector.broadcast %add3A_374 : i32 to vector<16xi32>
      %add3A_376 = arith.addi %and3A_315, %add3A_375 : vector<16xi32>
      %select_n3A_377 = arith.select %lt3A_373, %add3A_376, %and3A_315 : vector<16xi1>, vector<16xi32>
      %broadcast_in_dim3A_378 = vector.shape_cast %select_n3A_377 : vector<16xi32> to vector<16x1xi32>
      %gather3A_379 = vector.shape_cast %broadcast_in_dim3A_378 : vector<16x1xi32> to vector<16xi32>
      %gather3A_380 = tpu.dynamic_gather %add3A_63[%gather3A_379] in [0] : vector<16xf32>, vector<16xi32> -> vector<16xf32>
      %eq3A_381 = arith.constant 4 : i32
      %eq3A_382 = vector.broadcast %eq3A_381 : i32 to vector<16xi32>
      %eq3A_383 = arith.cmpi eq, %shift_right_logical3A_318, %eq3A_382 : vector<16xi32>
      %select_n3A_384 = arith.select %eq3A_383, %gather3A_380, %select_n3A_370 : vector<16xi1>, vector<16xf32>
      %lt3A_385 = arith.constant 0 : i32
      %lt3A_386 = vector.broadcast %lt3A_385 : i32 to vector<16xi32>
      %lt3A_387 = arith.cmpi slt, %and3A_315, %lt3A_386 : vector<16xi32>
      %add3A_388 = arith.constant 16 : i32
      %add3A_389 = vector.broadcast %add3A_388 : i32 to vector<16xi32>
      %add3A_390 = arith.addi %and3A_315, %add3A_389 : vector<16xi32>
      %select_n3A_391 = arith.select %lt3A_387, %add3A_390, %and3A_315 : vector<16xi1>, vector<16xi32>
      %broadcast_in_dim3A_392 = vector.shape_cast %select_n3A_391 : vector<16xi32> to vector<16x1xi32>
      %gather3A_393 = vector.shape_cast %broadcast_in_dim3A_392 : vector<16x1xi32> to vector<16xi32>
      %gather3A_394 = tpu.dynamic_gather %add3A_73[%gather3A_393] in [0] : vector<16xf32>, vector<16xi32> -> vector<16xf32>
      %eq3A_395 = arith.constant 5 : i32
      %eq3A_396 = vector.broadcast %eq3A_395 : i32 to vector<16xi32>
      %eq3A_397 = arith.cmpi eq, %shift_right_logical3A_318, %eq3A_396 : vector<16xi32>
      %select_n3A_398 = arith.select %eq3A_397, %gather3A_394, %select_n3A_384 : vector<16xi1>, vector<16xf32>
      %lt3A_399 = arith.constant 0 : i32
      %lt3A_400 = vector.broadcast %lt3A_399 : i32 to vector<16xi32>
      %lt3A_401 = arith.cmpi slt, %and3A_315, %lt3A_400 : vector<16xi32>
      %add3A_402 = arith.constant 16 : i32
      %add3A_403 = vector.broadcast %add3A_402 : i32 to vector<16xi32>
      %add3A_404 = arith.addi %and3A_315, %add3A_403 : vector<16xi32>
      %select_n3A_405 = arith.select %lt3A_401, %add3A_404, %and3A_315 : vector<16xi1>, vector<16xi32>
      %broadcast_in_dim3A_406 = vector.shape_cast %select_n3A_405 : vector<16xi32> to vector<16x1xi32>
      %gather3A_407 = vector.shape_cast %broadcast_in_dim3A_406 : vector<16x1xi32> to vector<16xi32>
      %gather3A_408 = tpu.dynamic_gather %add3A_83[%gather3A_407] in [0] : vector<16xf32>, vector<16xi32> -> vector<16xf32>
      %eq3A_409 = arith.constant 6 : i32
      %eq3A_410 = vector.broadcast %eq3A_409 : i32 to vector<16xi32>
      %eq3A_411 = arith.cmpi eq, %shift_right_logical3A_318, %eq3A_410 : vector<16xi32>
      %select_n3A_412 = arith.select %eq3A_411, %gather3A_408, %select_n3A_398 : vector<16xi1>, vector<16xf32>
      %swap3A_413 = arith.index_cast %add3A_309 : i32 to index
      %swap3A_414 = tpu.vector_load %arg7[%swap3A_413] {strides = array<i32>} : memref<1024xf32, #tpu.memory_space<vmem>>, vector<16xf32>,
      %swap3A_415 = vector.shape_cast %swap3A_414 : vector<16xf32> to vector<16xf32>
      %swap3A_416 = vector.shape_cast %select_n3A_412 : vector<16xf32> to vector<16xf32>
      tpu.vector_store %arg7[%swap3A_413], %swap3A_416 {strides = array<i32>} : memref<1024xf32, #tpu.memory_space<vmem>>, vector<16xf32>,
      %mul3A_417 = arith.constant 64 : i32
      %mul3A_418 = arith.muli %scan3A_90, %mul3A_417 : i32
      %add3A_419 = arith.constant 48 : i32
      %add3A_420 = arith.addi %mul3A_418, %add3A_419 : i32
      %get3A_421 = arith.index_cast %add3A_420 : i32 to index
      %get3A_422 = tpu.vector_load %arg6[%get3A_421] {strides = array<i32>} : memref<1024xi32, #tpu.memory_space<vmem>>, vector<16xi32>,
      %get3A_423 = vector.shape_cast %get3A_422 : vector<16xi32> to vector<16xi32>
      %and3A_424 = arith.constant 15 : i32
      %and3A_425 = vector.broadcast %and3A_424 : i32 to vector<16xi32>
      %and3A_426 = arith.andi %get3A_423, %and3A_425 : vector<16xi32>
      %shift_right_logical3A_427 = arith.constant 4 : i32
      %shift_right_logical3A_428 = vector.broadcast %shift_right_logical3A_427 : i32 to vector<16xi32>
      %shift_right_logical3A_429 = arith.shrui %get3A_423, %shift_right_logical3A_428 : vector<16xi32>
      %lt3A_430 = arith.constant 0 : i32
      %lt3A_431 = vector.broadcast %lt3A_430 : i32 to vector<16xi32>
      %lt3A_432 = arith.cmpi slt, %and3A_426, %lt3A_431 : vector<16xi32>
      %add3A_433 = arith.constant 16 : i32
      %add3A_434 = vector.broadcast %add3A_433 : i32 to vector<16xi32>
      %add3A_435 = arith.addi %and3A_426, %add3A_434 : vector<16xi32>
      %select_n3A_436 = arith.select %lt3A_432, %add3A_435, %and3A_426 : vector<16xi1>, vector<16xi32>
      %broadcast_in_dim3A_437 = vector.shape_cast %select_n3A_436 : vector<16xi32> to vector<16x1xi32>
      %gather3A_438 = vector.shape_cast %broadcast_in_dim3A_437 : vector<16x1xi32> to vector<16xi32>
      %gather3A_439 = tpu.dynamic_gather %add3A_23[%gather3A_438] in [0] : vector<16xf32>, vector<16xi32> -> vector<16xf32>
      %lt3A_440 = arith.constant 0 : i32
      %lt3A_441 = vector.broadcast %lt3A_440 : i32 to vector<16xi32>
      %lt3A_442 = arith.cmpi slt, %and3A_426, %lt3A_441 : vector<16xi32>
      %add3A_443 = arith.constant 16 : i32
      %add3A_444 = vector.broadcast %add3A_443 : i32 to vector<16xi32>
      %add3A_445 = arith.addi %and3A_426, %add3A_444 : vector<16xi32>
      %select_n3A_446 = arith.select %lt3A_442, %add3A_445, %and3A_426 : vector<16xi1>, vector<16xi32>
      %broadcast_in_dim3A_447 = vector.shape_cast %select_n3A_446 : vector<16xi32> to vector<16x1xi32>
      %gather3A_448 = vector.shape_cast %broadcast_in_dim3A_447 : vector<16x1xi32> to vector<16xi32>
      %gather3A_449 = tpu.dynamic_gather %add3A_33[%gather3A_448] in [0] : vector<16xf32>, vector<16xi32> -> vector<16xf32>
      %eq3A_450 = arith.constant 1 : i32
      %eq3A_451 = vector.broadcast %eq3A_450 : i32 to vector<16xi32>
      %eq3A_452 = arith.cmpi eq, %shift_right_logical3A_429, %eq3A_451 : vector<16xi32>
      %select_n3A_453 = arith.select %eq3A_452, %gather3A_449, %gather3A_439 : vector<16xi1>, vector<16xf32>
      %lt3A_454 = arith.constant 0 : i32
      %lt3A_455 = vector.broadcast %lt3A_454 : i32 to vector<16xi32>
      %lt3A_456 = arith.cmpi slt, %and3A_426, %lt3A_455 : vector<16xi32>
      %add3A_457 = arith.constant 16 : i32
      %add3A_458 = vector.broadcast %add3A_457 : i32 to vector<16xi32>
      %add3A_459 = arith.addi %and3A_426, %add3A_458 : vector<16xi32>
      %select_n3A_460 = arith.select %lt3A_456, %add3A_459, %and3A_426 : vector<16xi1>, vector<16xi32>
      %broadcast_in_dim3A_461 = vector.shape_cast %select_n3A_460 : vector<16xi32> to vector<16x1xi32>
      %gather3A_462 = vector.shape_cast %broadcast_in_dim3A_461 : vector<16x1xi32> to vector<16xi32>
      %gather3A_463 = tpu.dynamic_gather %add3A_43[%gather3A_462] in [0] : vector<16xf32>, vector<16xi32> -> vector<16xf32>
      %eq3A_464 = arith.constant 2 : i32
      %eq3A_465 = vector.broadcast %eq3A_464 : i32 to vector<16xi32>
      %eq3A_466 = arith.cmpi eq, %shift_right_logical3A_429, %eq3A_465 : vector<16xi32>
      %select_n3A_467 = arith.select %eq3A_466, %gather3A_463, %select_n3A_453 : vector<16xi1>, vector<16xf32>
      %lt3A_468 = arith.constant 0 : i32
      %lt3A_469 = vector.broadcast %lt3A_468 : i32 to vector<16xi32>
      %lt3A_470 = arith.cmpi slt, %and3A_426, %lt3A_469 : vector<16xi32>
      %add3A_471 = arith.constant 16 : i32
      %add3A_472 = vector.broadcast %add3A_471 : i32 to vector<16xi32>
      %add3A_473 = arith.addi %and3A_426, %add3A_472 : vector<16xi32>
      %select_n3A_474 = arith.select %lt3A_470, %add3A_473, %and3A_426 : vector<16xi1>, vector<16xi32>
      %broadcast_in_dim3A_475 = vector.shape_cast %select_n3A_474 : vector<16xi32> to vector<16x1xi32>
      %gather3A_476 = vector.shape_cast %broadcast_in_dim3A_475 : vector<16x1xi32> to vector<16xi32>
      %gather3A_477 = tpu.dynamic_gather %add3A_53[%gather3A_476] in [0] : vector<16xf32>, vector<16xi32> -> vector<16xf32>
      %eq3A_478 = arith.constant 3 : i32
      %eq3A_479 = vector.broadcast %eq3A_478 : i32 to vector<16xi32>
      %eq3A_480 = arith.cmpi eq, %shift_right_logical3A_429, %eq3A_479 : vector<16xi32>
      %select_n3A_481 = arith.select %eq3A_480, %gather3A_477, %select_n3A_467 : vector<16xi1>, vector<16xf32>
      %lt3A_482 = arith.constant 0 : i32
      %lt3A_483 = vector.broadcast %lt3A_482 : i32 to vector<16xi32>
      %lt3A_484 = arith.cmpi slt, %and3A_426, %lt3A_483 : vector<16xi32>
      %add3A_485 = arith.constant 16 : i32
      %add3A_486 = vector.broadcast %add3A_485 : i32 to vector<16xi32>
      %add3A_487 = arith.addi %and3A_426, %add3A_486 : vector<16xi32>
      %select_n3A_488 = arith.select %lt3A_484, %add3A_487, %and3A_426 : vector<16xi1>, vector<16xi32>
      %broadcast_in_dim3A_489 = vector.shape_cast %select_n3A_488 : vector<16xi32> to vector<16x1xi32>
      %gather3A_490 = vector.shape_cast %broadcast_in_dim3A_489 : vector<16x1xi32> to vector<16xi32>
      %gather3A_491 = tpu.dynamic_gather %add3A_63[%gather3A_490] in [0] : vector<16xf32>, vector<16xi32> -> vector<16xf32>
      %eq3A_492 = arith.constant 4 : i32
      %eq3A_493 = vector.broadcast %eq3A_492 : i32 to vector<16xi32>
      %eq3A_494 = arith.cmpi eq, %shift_right_logical3A_429, %eq3A_493 : vector<16xi32>
      %select_n3A_495 = arith.select %eq3A_494, %gather3A_491, %select_n3A_481 : vector<16xi1>, vector<16xf32>
      %lt3A_496 = arith.constant 0 : i32
      %lt3A_497 = vector.broadcast %lt3A_496 : i32 to vector<16xi32>
      %lt3A_498 = arith.cmpi slt, %and3A_426, %lt3A_497 : vector<16xi32>
      %add3A_499 = arith.constant 16 : i32
      %add3A_500 = vector.broadcast %add3A_499 : i32 to vector<16xi32>
      %add3A_501 = arith.addi %and3A_426, %add3A_500 : vector<16xi32>
      %select_n3A_502 = arith.select %lt3A_498, %add3A_501, %and3A_426 : vector<16xi1>, vector<16xi32>
      %broadcast_in_dim3A_503 = vector.shape_cast %select_n3A_502 : vector<16xi32> to vector<16x1xi32>
      %gather3A_504 = vector.shape_cast %broadcast_in_dim3A_503 : vector<16x1xi32> to vector<16xi32>
      %gather3A_505 = tpu.dynamic_gather %add3A_73[%gather3A_504] in [0] : vector<16xf32>, vector<16xi32> -> vector<16xf32>
      %eq3A_506 = arith.constant 5 : i32
      %eq3A_507 = vector.broadcast %eq3A_506 : i32 to vector<16xi32>
      %eq3A_508 = arith.cmpi eq, %shift_right_logical3A_429, %eq3A_507 : vector<16xi32>
      %select_n3A_509 = arith.select %eq3A_508, %gather3A_505, %select_n3A_495 : vector<16xi1>, vector<16xf32>
      %lt3A_510 = arith.constant 0 : i32
      %lt3A_511 = vector.broadcast %lt3A_510 : i32 to vector<16xi32>
      %lt3A_512 = arith.cmpi slt, %and3A_426, %lt3A_511 : vector<16xi32>
      %add3A_513 = arith.constant 16 : i32
      %add3A_514 = vector.broadcast %add3A_513 : i32 to vector<16xi32>
      %add3A_515 = arith.addi %and3A_426, %add3A_514 : vector<16xi32>
      %select_n3A_516 = arith.select %lt3A_512, %add3A_515, %and3A_426 : vector<16xi1>, vector<16xi32>
      %broadcast_in_dim3A_517 = vector.shape_cast %select_n3A_516 : vector<16xi32> to vector<16x1xi32>
      %gather3A_518 = vector.shape_cast %broadcast_in_dim3A_517 : vector<16x1xi32> to vector<16xi32>
      %gather3A_519 = tpu.dynamic_gather %add3A_83[%gather3A_518] in [0] : vector<16xf32>, vector<16xi32> -> vector<16xf32>
      %eq3A_520 = arith.constant 6 : i32
      %eq3A_521 = vector.broadcast %eq3A_520 : i32 to vector<16xi32>
      %eq3A_522 = arith.cmpi eq, %shift_right_logical3A_429, %eq3A_521 : vector<16xi32>
      %select_n3A_523 = arith.select %eq3A_522, %gather3A_519, %select_n3A_509 : vector<16xi1>, vector<16xf32>
      %swap3A_524 = arith.index_cast %add3A_420 : i32 to index
      %swap3A_525 = tpu.vector_load %arg7[%swap3A_524] {strides = array<i32>} : memref<1024xf32, #tpu.memory_space<vmem>>, vector<16xf32>,
      %swap3A_526 = vector.shape_cast %swap3A_525 : vector<16xf32> to vector<16xf32>
      %swap3A_527 = vector.shape_cast %select_n3A_523 : vector<16xf32> to vector<16xf32>
      tpu.vector_store %arg7[%swap3A_524], %swap3A_527 {strides = array<i32>} : memref<1024xf32, #tpu.memory_space<vmem>>, vector<16xf32>,
    }
    %scan3A_89 = arith.constant 16 : i32
    "tpu.region"() ({
      %run_scoped3A = tpu.sem_alloc : memref<!tpu.dma_semaphore, #tpu.memory_space<semaphore_mem>>
      %dma_start3A_90 = tpu.memref_slice %arg4[%mul3A_2] : memref<16384xf32, #tpu.memory_space<hbm>> -> memref<1024xf32, #tpu.memory_space<hbm>>
      %dma_start3A_91 = tpu.memref_slice %arg4[%mul3A_2] : memref<16384xf32, #tpu.memory_space<hbm>> -> memref<1024xf32, #tpu.memory_space<hbm>>
      tpu.enqueue_dma source(%arg7 : memref<1024xf32, #tpu.memory_space<vmem>>) target(%dma_start3A_91 : memref<1024xf32, #tpu.memory_space<hbm>>) target_semaphore(%run_scoped3A : memref<!tpu.dma_semaphore, #tpu.memory_space<semaphore_mem>>)
      %dma_wait3A_92 = tpu.memref_slice %arg4[%mul3A_2] : memref<16384xf32, #tpu.memory_space<hbm>> -> memref<1024xf32, #tpu.memory_space<hbm>>
      %dma_wait3A_93 = tpu.memref_slice %arg4[%mul3A_2] : memref<16384xf32, #tpu.memory_space<hbm>> -> memref<1024xf32, #tpu.memory_space<hbm>>
      tpu.wait_dma2 semaphore(%run_scoped3A : memref<!tpu.dma_semaphore, #tpu.memory_space<semaphore_mem>>) src(%arg7 : memref<1024xf32, #tpu.memory_space<vmem>>) dst(%dma_wait3A_93 : memref<1024xf32, #tpu.memory_space<hbm>>)
      tpu.yield
    }) : () -> ()
    return
  }
}

</mosaic_0001>

<sc_bundles>
// kernel: _run.3.cloned.1.call-start
scs
__scs_entry_jumppad:
0x0: {  	(pc) =	sbr.rel $0x88, $3  }
0x1: {  	(tag) =	ssettag $0x0;
	lr =	simm.s32 $0x1  }
0x2: {  	[smem:$0x3F9F] =	sst lr;
	_ =	strace $0xD0000000  }
0x3: {  	_ = 	snop  }
0x4: {  	_ = 	snop  }
0x5: {  	_ = 	snop  }
0x6: {  	_ = 	snop  }
0x7: {  	_ = 	snop  }
__scs_overlays_trampoline_lowered:
0x8: {  	[smem:$0x3FAE] =	sst s0  }
0x9: {  	[smem:$0x3FAF] =	sst s1  }
0xa: {  	[smem:$0x3FB0] =	sst s2  }
0xb: {  	[smem:$0x3FB1] =	sst s3  }
0xc: {  	[smem:$0x3FB2] =	sst s4  }
0xd: {  	[smem:$0x3FB3] =	sst s5  }
0xe: {  	[smem:$0x3FB4] =	sst s6  }
0xf: {  	[smem:$0x3FB5] =	sst s7  }
0x10: {  	[smem:$0x3FB6] =	sst s8  }
0x11: {  	[smem:$0x3FB7] =	sst s9;
	s0 =	simm.s32 @!p0 $0x0  }
0x12: {  	s1 =	sld [smem:$0x3F9D];
	s0 =	simm.s32 @p0 $0x1  }
0x13: {  	[smem:$0x3FB8] =	sst s0;
	s0 =	simm.s32 @!p1 $0x0  }
0x14: {  	s2 =	sld [smem:$0x3F9C];
	s0 =	simm.s32 @p1 $0x1  }
0x15: {  	[smem:$0x3FB9] =	sst s0;
	s0 =	simm.s32 @!p2 $0x0  }
0x16: {  	s3 =	sld [smem:$0x3FDB];
	s0 =	simm.s32 @p2 $0x1  }
0x17: {  	s4 =	simm.s32 $0x1BF5;
	[smem:$0x3FBB] =	sst s0  }
0x18: {  	s0 =	sld [smem:$0x3F9E];
	_ =	swait.ge [sflag:s4], $0x0  }
0x19: {  	s7 =	sld [smem:$0x3F9F]  }
0x1a: {  	s8 =	sadd.s32 $0xFFFFE003, lr  }
0x1b: {  	s9 =	sadd.s32 $0xFFFFFEF7, lr;
	s5 =	simm.s32 $0xFFFFFFFF;
	p2 =	slt.u32 s8, $0xFFFFF086  }
0x1c: {  	p1 =	slt.u32 s9, $0xF7A;
	s5 =	simm.s32 @!p2 $0x0  }
0x1d: {  	s5 =	simm.s32 @p1 $0x1;
	p0 =	seq.s32 s7, s2  }
0x1e: {  	s7 =	smul.u32 @!p0 $0xF7A, s2;
	p2 =	seq.s32 @!p0 s5, $0x0  }
0x1f: {  	s9 =	smul.u32 $0xF7A, s1;
	s8 =	simm.s32 @!p0 $0x1BF5;
	p2 =	por !p2, p0  }
0x20: {  	[sflag:s8] =	ssyncset.s32 @!p0 $0xFFFFF086;
	s6 =	sadd.s32 @!p0 s3, s7;
	s7 =	simm.s32 @!p0 $0x108  }
0x21: {  	s3 =	sadd.s32 s3, s9;
	s6 =	sadd.s32 @!p0 $0x88, s6;
	s7 =	simm.s32 @p2 $0x1082  }
0x22: {  	[simem:s7], [sflag:s8] =	dma.local @!p0 [hbm:s6], $0xF7A  }
0x23: {  	s9 =	sor.u32 $0xD0000000, s2;
	s6 =	simm.s32 $0x108;
	_ =	swait.ge @!p0 [sflag:s8], $0x0  }
0x24: {  	s3 =	sadd.s32 $0x88, s3;
	s6 =	simm.s32 @!p1 $0x1082;
	[sflag:s4] =	ssyncset.s32 $0xFFFFF086  }
0x25: {  	[simem:s6], [sflag:s4] =	dma.local [hbm:s3], $0xF7A  }
0x26: {  	[smem:$0x3F9F] =	sst s1;
	(tag) =	ssettag s2;
	_ =	strace s9  }
0x27: {  	s1 =	sld [smem:$0x3FAF]  }
0x28: {  	s2 =	sld [smem:$0x3FB0]  }
0x29: {  	s4 =	sld [smem:$0x3FB2]  }
0x2a: {  	p0 =	seq.s32 s5, $0x0;
	s5 =	sld [smem:$0x3FB3]  }
0x2b: {  	s6 =	sld [smem:$0x3FB4]  }
0x2c: {  	s7 =	sld [smem:$0x3FB5]  }
0x2d: {  	s3 =	simm.s32 $0x108;
	s8 =	sld [smem:$0x3FB6]  }
0x2e: {  	s3 =	simm.s32 @!p0 $0x1082;
	s9 =	sld [smem:$0x3FB7]  }
0x2f: {  	lr =	sadd.s32 s0, s3;
	s0 =	sld [smem:$0x3FAE]  }
0x30: {  	s3 =	sld [smem:$0x3FB1]  }
0x31: {  	[smem:$0x3FBA] =	sst s10  }
0x32: {  	s10 =	sld [smem:$0x3FB8];
	_ =	sdelay $0x3  }
0x33: {  	p0 =	seq.s32 s10, $0x1;
	s10 =	sld [smem:$0x3FBA];
	_ =	sdelay $0x3  }
0x34: {  	[smem:$0x3FBA] =	sst s10  }
0x35: {  	s10 =	sld [smem:$0x3FB9];
	_ =	sdelay $0x3  }
0x36: {  	p1 =	seq.s32 s10, $0x1;
	s10 =	sld [smem:$0x3FBA];
	_ =	sdelay $0x3  }
0x37: {  	[smem:$0x3FBA] =	sst s10  }
0x38: {  	s10 =	sld [smem:$0x3FBB]  }
0x39: {  	_ = 	snop;
	(pc) =	sbr.ind lr, $3  }
0x3a: {  	_ = 	snop  }
0x3b: {  	_ = 	snop  }
0x3c: {  	p2 =	seq.s32 s10, $0x1;
	s10 =	sld [smem:$0x3FBA]  }
0x3d: {  	_ =	shalt  }
0x3e: {  	_ =	shalt  }
0x3f: {  	_ =	shalt  }
0x40: {  	_ =	shalt  }
0x41: {  	_ =	shalt  }
0x42: {  	_ =	shalt  }
0x43: {  	_ =	shalt  }
0x44: {  	_ =	shalt  }
0x45: {  	_ =	shalt  }
0x46: {  	_ =	shalt  }
0x47: {  	_ =	shalt  }
0x48: {  	_ =	shalt  }
0x49: {  	_ =	shalt  }
0x4a: {  	_ =	shalt  }
0x4b: {  	_ =	shalt  }
0x4c: {  	_ =	shalt  }
0x4d: {  	_ =	shalt  }
0x4e: {  	_ =	shalt  }
0x4f: {  	_ =	shalt  }
0x50: {  	_ =	shalt  }
0x51: {  	_ =	shalt  }
0x52: {  	_ =	shalt  }
0x53: {  	_ =	shalt  }
0x54: {  	_ =	shalt  }
0x55: {  	_ =	shalt  }
0x56: {  	_ =	shalt  }
0x57: {  	_ =	shalt  }
0x58: {  	_ =	shalt  }
0x59: {  	_ =	shalt  }
0x5a: {  	_ =	shalt  }
0x5b: {  	_ =	shalt  }
0x5c: {  	_ =	shalt  }
0x5d: {  	_ =	shalt  }
0x5e: {  	_ =	shalt  }
0x5f: {  	_ =	shalt  }
0x60: {  	_ =	shalt  }
0x61: {  	_ =	shalt  }
0x62: {  	_ =	shalt  }
0x63: {  	_ =	shalt  }
0x64: {  	_ =	shalt  }
0x65: {  	_ =	shalt  }
0x66: {  	_ =	shalt  }
0x67: {  	_ =	shalt  }
0x68: {  	_ =	shalt  }
0x69: {  	_ =	shalt  }
0x6a: {  	_ =	shalt  }
0x6b: {  	_ =	shalt  }
0x6c: {  	_ =	shalt  }
0x6d: {  	_ =	shalt  }
0x6e: {  	_ =	shalt  }
0x6f: {  	_ =	shalt  }
0x70: {  	_ =	shalt  }
0x71: {  	_ =	shalt  }
0x72: {  	_ =	shalt  }
0x73: {  	_ =	shalt  }
0x74: {  	_ =	shalt  }
0x75: {  	_ =	shalt  }
0x76: {  	_ =	shalt  }
0x77: {  	_ =	shalt  }
0x78: {  	_ =	shalt  }
0x79: {  	_ =	shalt  }
0x7a: {  	_ =	shalt  }
0x7b: {  	_ =	shalt  }
0x7c: {  	_ =	shalt  }
0x7d: {  	_ =	shalt  }
0x7e: {  	_ =	shalt  }
0x7f: {  	_ =	shalt  }
0x80: {  	_ =	shalt  }
0x81: {  	_ =	shalt  }
0x82: {  	_ =	shalt  }
0x83: {  	_ =	shalt  }
0x84: {  	_ =	shalt  }
0x85: {  	_ =	shalt  }
0x86: {  	_ =	shalt  }
0x87: {  	_ =	shalt  }
.Lfunc_end0:
.L_simem_size_0:
called_computation_lowered:
.L_overlay_start_0:
0x88: {  	s0 =	sld [smem:$0x3FD9]  }
0x89: {  	s1 =	sld [smem:$0x3FFE];
	_ =	sdelay $0x3  }
0x8a: {  	s0 =	sadd.s32 s1, s0  }
0x8b: {  	[smem:$0x3FC6] =	sst s0  }
0x8c: {  	_ = 	snop  }
0x8d: {  	s0 =	sld [smem:$0x3FC9]  }
0x8e: {  	s17 =	sld [smem:$0x3FC8]  }
0x8f: {  	s2 =	sld [smem:$0x3FD0];
	(tm) =	ssettm $0x1  }
0x90: {  	s3 =	sld [smem:$0x3FFB];
	_ =	sdelay $0x3  }
0x91: {  	_ =	strace s3  }
0x92: {  	s3 =	sld [smem:$0x3FFC];
	_ =	sdelay $0x3  }
0x93: {  	_ =	strace s3  }
0x94: {  	s3 =	sld [smem:$0x3FFD];
	_ =	sdelay $0x3  }
0x95: {  	_ =	strace s3  }
0x96: {  	_ =	strace $0x8FFFFFFF  }
0x97: {  	s18 =	sld [smem:$0x3FDB];
	_ =	sdelay $0x1  }
0x98: {  	s4 =	simm.s32 $_scs_section_size  }
0x99: {  	s5 =	simm.s32 $_size__tile_overlayer_lowered;
	s6 =	simm.s32 $_tile_overlayer_lowered  }
0x9a: {  	s21 =	simm.s32 $0x1BFF;
	s20 =	sshll.u32 s6, $0x1;
	s3 =	sadd.s32 s4, s18  }
0x9b: {  	s7 =	simm.s32 $0x0;
	s19 =	sshll.u32 s5, $0x1;
	s5 =	sadd.s32 s20, s3  }
0x9c: {  	[timem:s7], [sflag:s21] =	dma.local [hbm:s5], s19  }
0x9d: {  	_ =	swait.ge [sflag:s21], s19  }
0x9e: {  	s4 =	ssub.s32 $0x0, s19;
	[sflag:s21] =	ssyncset.done $0x0  }
0x9f: {  	[sflag:s21] =	ssyncadd.s32 s4;
	_ =	sdelay $0x1  }
0xa0: {  	s22 =	simm.s32 $0x1B8B  }
0xa1: {  	_ =	swait.ge [sflag:s22], $0x1  }
0xa2: {  	[sflag:s22] =	ssyncset.done $0x0  }
0xa3: {  	s23 =	simm.s32 $0x1B8E;
	[sflag:s22] =	ssyncadd.s32 $0xFFFFFFFF  }
0xa4: {  	s24 =	simm.s32 $execute0_lowered;
	[smem:$0x3FD2] =	sst s23  }
0xa5: {  	s4 =	sshll.u32 s24, $0x1;
	_ =	strace $0x80000046;
	[dreg:$0x1] =	wrdreg $0xFFFFFFFF  }
0xa6: {  	s25 =	simm.s32 $_size_execute0_lowered;
	s3 =	sadd.s32 s3, s4;
	[dreg:$0x0] =	wrdreg $0x0  }
0xa7: {  	s4 =	sshll.u32 s25, $0x1;
	[dreg:$0x2] =	wrdreg s3  }
0xa8: {  	[dreg:$0x3] =	wrdreg s4  }
0xa9: {  	[dreg:$0x4] =	wrdreg $0xC0  }
0xaa: {  	_ =	task [dreg:s7], $0x5FFFF  }
0xab: {  	[dreg:$0x1] =	wrdreg $0xFFFFFFFF  }
0xac: {  	[dreg:$0x0] =	wrdreg $0x60  }
0xad: {  	[dreg:$0x2] =	wrdreg s0  }
0xae: {  	[dreg:$0x3] =	wrdreg s17  }
0xaf: {  	[dreg:$0x4] =	wrdreg s2  }
0xb0: {  	[dreg:$0x5] =	wrdreg $0x9  }
0xb1: {  	_ =	task.clear_ibuf [dreg:s7], $0x6FFFF;
	_ =	strace $0x90000046  }
0xb2: {  	s26 =	simm.s32 $0x9;
	_ =	strace $0x80000048  }
0xb3: {  	_ =	swait.ge [sflag:s26], $0x1  }
0xb4: {  	[sflag:s26] =	ssyncadd.s32 $0xFFFFFFFF  }
0xb5: {  	_ =	strace $0x90000048  }
0xb6: {  	_ =	sfence  }
0xb7: {  	s28 =	sld [smem:$0x0];
	_ =	sdelay $0x1  }
0xb8: {  	s29 =	srdreg.scid  }
0xb9: {  	s30 =	sshll.u32 s29, $0xD;
	s31 =	sshrl.u32 s29, $0x2  }
0xba: {  	s1 =	sand.u32 $0x1, s29;
	s2 =	sand.u32 $0x4000, s30;
	s0 =	sadd.s32 s31, s28  }
0xbb: {  	s1 =	sor.u32 s2, s1;
	s0 =	sshll.u32 s0, $0x11  }
0xbc: {  	s0 =	sor.u32 s0, s1  }
0xbd: {  	s0 =	sadd.s32 $0x8F2B, s0  }
0xbe: {  	[sflag:s0] =	ssyncadd.remote.s32 $0x1  }
0xbf: {  	_ =	sfence.sel $0xFFFF  }
0xc0: {  	[dreg:$0x0] =	wrdreg $0xFFFFFFFF;
	(pc) =	sbr.abs _section_cstart, $3  }
0xc1: {  	[dreg:$0x1] =	wrdreg $0xFFFFFFFF  }
0xc2: {  	_ =	task.clear_ibuf [dreg:s7], $0x2FFFF;
	_ =	strace $0x9FFFFFFF  }
0xc3: {  	(tm) =	ssettm $0x7FFFFFFF  }
tec
execute0_lowered:
.L_overlay_start_1:
0x0: {  	(tag) =	ssettag $0x1  }
0x1: {  	s4 =	rddreg [dreg:$0x0]  }
0x2: {  	s5 =	rddreg [dreg:$0x1]  }
0x3: {  	s2 =	rddreg [dreg:$0x2]  }
0x4: {  	s0 =	rddreg [dreg:$0x3];
	s6 =	simm.s32 $0x0;
	s1 =	stileid.u32  }
0x5: {  	[smem:$0x7FF] =	sst s6;
	s3 =	sshll.u32 s1, $0x7  }
0x6: {  	s7 =	simm.s32 $0x80;
	_ =	strace $0x80000047;
	s5 =	sadd.s32 s5, s3  }
0x7: {  	[tilespmem:s7], [sflag:$0x1] =	stream.linear.gather [hbm4b:s5+s6], $0x400, $0x38;
	[tilespmem:$0x880] =	vst v63  }
0x8: {  	s30 =	simm.s32 $0x2  }
0x9: {  	[tilespmem:s6], [sflag:$0x2] =	stream.linear.gather [hbm4b:s4+s6], $0x80, $0x38;
	[tilespmem:$0x880] =	vst v63  }
0xa: {  	_ =	swait.ge [sflag:s30], $0x80  }
0xb: {  	[sflag:s30] =	ssyncset.done $0x0  }
0xc: {  	[sflag:s30] =	ssyncadd.s32 $0xFFFFFF80  }
0xd: {  	v0 =	vld [tilespmem:$0x70];
	_ =	sdelay $0x1  }
0xe: {  	v1 =	vld [tilespmem:$0x0]  }
0xf: {  	v2 =	vld [tilespmem:$0x10]  }
0x10: {  	v4 =	vld [tilespmem:$0x20]  }
0x11: {  	v6 =	vld [tilespmem:$0x30];
	v3 =	vbroadcast v0, $0x0  }
0x12: {  	v7 =	vld [tilespmem:$0x40]  }
0x13: {  	v9 =	vld [tilespmem:$0x50];
	v5 =	vbroadcast v0, $0x1;
	v1 =	vmul.f32 v1, v3  }
0x14: {  	v10 =	vld [tilespmem:$0x60]  }
0x15: {  	v8 =	vbroadcast v0, $0x2;
	v1 =	vadd.f32 v1, v5  }
0x16: {  	v0 =	vbroadcast v0, $0x3;
	v2 =	vmul.f32 v2, v3  }
0x17: {  	v4 =	vmul.f32 v4, v3;
	v6 =	vmul.f32 v6, v3;
	v1 =	vmax.f32 v1, $0.0e+00  }
0x18: {  	s31 =	simm.s32 $0x1;
	v7 =	vmul.f32 v7, v3;
	v11 =	vadd.f32 v2, v5;
	v1 =	vmul.f32 v1, v8  }
0x19: {  	_ =	swait.ge [sflag:s31], $0x400;
	v9 =	vmul.f32 v9, v3;
	v3 =	vmul.f32 v10, v3  }
0x1a: {  	[sflag:s31] =	ssyncset.done $0x0;
	v6 =	vadd.f32 v6, v5;
	v2 =	vadd.f32 v1, v0;
	v1 =	vmax.f32 v11, $0.0e+00  }
0x1b: {  	s4 =	simm.s32 $0x0;
	[sflag:s31] =	ssyncadd.s32 $0xFFFFFC00;
	v7 =	vadd.f32 v7, v5;
	v11 =	vadd.f32 v4, v5;
	v1 =	vmul.f32 v1, v8  }
0x1c: {  	v10 =	vld [tilespmem:s4+$0xB0];
	v9 =	vadd.f32 v9, v5;
	v3 =	vadd.f32 v3, v5  }
0x1d: {  	v6 =	vmax.f32 v6, $0.0e+00;
	v4 =	vadd.f32 v1, v0;
	v1 =	vmax.f32 v11, $0.0e+00  }
0x1e: {  	v5 =	vmul.f32 v6, v8;
	v6 =	vmax.f32 v7, $0.0e+00;
	v1 =	vmul.f32 v1, v8  }
0x1f: {  	v9 =	vmax.f32 v9, $0.0e+00;
	v3 =	vmax.f32 v3, $0.0e+00;
	v7 =	vmul.f32 v6, v8;
	v11 =	vld [tilespmem:s4+$0x80]  }
0x20: {  	v6 =	vadd.f32 v1, v0;
	v1 =	vmul.f32 v9, v8;
	v8 =	vmul.f32 v3, v8  }
0x21: {  	v5 =	vadd.f32 v5, v0;
	v3 =	vadd.f32 v7, v0;
	v9 =	vshrl.u32 v10, $0x4  }
0x22: {  	v1 =	vadd.f32 v1, v0;
	v0 =	vadd.f32 v8, v0;
	v8 =	vand.u32 $0xF, v10  }
0x23: {  	vm0 =	veq.s32 v9, $0x1;
	v10 =	vperm.xlane v2, v8  }
0x24: {  	v7 =	vand.u32 $0xF, v11;
	v12 =	vperm.xlane v4, v8;
	v14 =	vperm.xlane v6, v8  }
0x25: {  	v13 =	vld [tilespmem:s4+$0x90];
	v11 =	vshrl.u32 v11, $0x4;
	v16 =	vperm.xlane v2, v7;
	v20 =	vperm.xlane v6, v7  }
0x26: {  	v15 =	vld [tilespmem:s4+$0xA0];
	v10 =	vsel vm0, v12, v10;
	vm0 =	veq.s32 v9, $0x2;
	v12 =	vperm.xlane v5, v8  }
0x27: {  	v10 =	vsel vm0, v14, v10;
	vm0 =	veq.s32 v9, $0x3;
	v14 =	vperm.xlane v3, v8  }
0x28: {  	v10 =	vsel vm0, v12, v10;
	vm0 =	veq.s32 v9, $0x4;
	v12 =	vperm.xlane v1, v8  }
0x29: {  	v10 =	vsel vm0, v14, v10;
	vm0 =	veq.s32 v9, $0x5;
	v14 =	vperm.xlane v0, v8  }
0x2a: {  	v8 =	vand.u32 $0xF, v13;
	v12 =	vsel vm0, v12, v10;
	vm0 =	veq.s32 v9, $0x6  }
0x2b: {  	v10 =	vand.u32 $0xF, v15;
	v18 =	vperm.xlane v2, v8;
	v9 =	vshrl.u32 v13, $0x4  }
0x2c: {  	v13 =	vperm.xlane v4, v8;
	v21 =	vperm.xlane v6, v8;
	v17 =	vsel vm0, v14, v12  }
0x2d: {  	v14 =	vperm.xlane v4, v7;
	v19 =	vperm.xlane v2, v10;
	vm0 =	veq.s32 v11, $0x1  }
0x2e: {  	v12 =	vshrl.u32 v15, $0x4;
	v15 =	vperm.xlane v4, v10;
	vm1 =	veq.s32 v9, $0x1  }
0x2f: {  	v22 =	vperm.xlane v5, v10;
	v13 =	vsel vm1, v13, v18;
	vm1 =	veq.s32 v11, $0x2  }
0x30: {  	v18 =	vperm.xlane v5, v7;
	v14 =	vsel vm0, v14, v16;
	vm0 =	veq.s32 v12, $0x1  }
0x31: {  	[tilespmem:s4+$0x4B0] =	vst v17;
	v17 =	vperm.xlane v1, v10;
	v16 =	vperm.xlane v6, v10;
	v15 =	vsel vm0, v15, v19  }
0x32: {  	vm0 =	veq.s32 v9, $0x2;
	v19 =	vperm.xlane v5, v8;
	v20 =	vsel vm1, v20, v14  }
0x33: {  	vm1 =	veq.s32 v12, $0x2;
	v14 =	vperm.xlane v3, v8;
	v13 =	vsel vm0, v21, v13  }
0x34: {  	vm0 =	veq.s32 v11, $0x3;
	v15 =	vsel vm1, v16, v15;
	v21 =	vperm.xlane v3, v7  }
0x35: {  	vm1 =	veq.s32 v9, $0x3;
	v16 =	vperm.xlane v3, v10;
	v20 =	vsel vm0, v18, v20  }
0x36: {  	vm0 =	veq.s32 v12, $0x3;
	v18 =	vsel vm1, v19, v13;
	vm1 =	veq.s32 v11, $0x4  }
0x37: {  	v13 =	vperm.xlane v1, v8;
	v19 =	vsel vm0, v22, v15;
	v15 =	vperm.xlane v1, v7  }
0x38: {  	s5 =	simm.s32 $0x40;
	s6 =	simm.s32 $0x200;
	vm0 =	veq.s32 v9, $0x4;
	v20 =	vsel vm1, v21, v20;
	vm1 =	veq.s32 v12, $0x4  }
.LBB2_1:
0x39: {  	p0 =	sne.s32 s6, $0xF00;
	v21 =	vld [tilespmem:s5+$0xB0];
	vm2 =	veq.s32 v11, $0x5;
	v14 =	vsel vm0, v14, v18;
	v16 =	vsel vm1, v16, v19  }
0x3a: {  	v7 =	vperm.xlane v0, v7;
	vm0 =	veq.s32 v9, $0x5;
	v8 =	vperm.xlane v0, v8;
	v18 =	vld [tilespmem:s5+$0x80]  }
0x3b: {  	vm1 =	veq.s32 v12, $0x5;
	v10 =	vperm.xlane v0, v10;
	v15 =	vsel vm2, v15, v20;
	v19 =	vld [tilespmem:s5+$0x90]  }
0x3c: {  	vm2 =	veq.s32 v11, $0x6;
	v11 =	vsel vm0, v13, v14;
	v13 =	vsel vm1, v17, v16;
	v20 =	vld [tilespmem:s5+$0xA0]  }
0x3d: {  	vm0 =	veq.s32 v9, $0x6;
	vm1 =	veq.s32 v12, $0x6;
	v7 =	vsel vm2, v7, v15  }
0x3e: {  	v9 =	vand.u32 $0xF, v21;
	[tilespmem:s4+$0x480] =	vst v7;
	v7 =	vsel vm0, v8, v11;
	v8 =	vsel vm1, v10, v13  }
0x3f: {  	v10 =	vshrl.u32 v21, $0x4;
	v11 =	vperm.xlane v2, v9;
	v12 =	vperm.xlane v4, v9;
	[tilespmem:s4+$0x490] =	vst v7  }
0x40: {  	v7 =	vand.u32 $0xF, v18;
	vm0 =	veq.s32 v10, $0x1;
	v13 =	vperm.xlane v6, v9;
	[tilespmem:s4+$0x4A0] =	vst v8;
	s4 =	smov.u32 s5  }
0x41: {  	v8 =	vsel vm0, v12, v11;
	vm0 =	veq.s32 v10, $0x2;
	v11 =	vperm.xlane v5, v9  }
0x42: {  	v12 =	vperm.xlane v3, v9;
	v8 =	vsel vm0, v13, v8;
	vm0 =	veq.s32 v10, $0x3  }
0x43: {  	v8 =	vsel vm0, v11, v8;
	vm0 =	veq.s32 v10, $0x4;
	v11 =	vperm.xlane v1, v9  }
0x44: {  	v9 =	vperm.xlane v0, v9;
	v12 =	vsel vm0, v12, v8;
	vm0 =	veq.s32 v10, $0x5  }
0x45: {  	v8 =	vand.u32 $0xF, v19;
	v11 =	vsel vm0, v11, v12;
	vm0 =	veq.s32 v10, $0x6  }
0x46: {  	v13 =	vperm.xlane v2, v7;
	v10 =	vand.u32 $0xF, v20;
	v9 =	vsel vm0, v9, v11  }
0x47: {  	v14 =	vperm.xlane v4, v7;
	v15 =	vperm.xlane v2, v8;
	v11 =	vshrl.u32 v18, $0x4;
	[tilespmem:s4+$0x4B0] =	vst v9  }
0x48: {  	v16 =	vperm.xlane v4, v8;
	v17 =	vperm.xlane v2, v10;
	v9 =	vshrl.u32 v19, $0x4  }
0x49: {  	v12 =	vshrl.u32 v20, $0x4;
	v18 =	vperm.xlane v4, v10;
	vm0 =	veq.s32 v11, $0x1  }
0x4a: {  	v20 =	vperm.xlane v6, v8;
	v19 =	vperm.xlane v6, v7;
	vm1 =	veq.s32 v9, $0x1  }
0x4b: {  	v13 =	vsel vm0, v14, v13;
	vm0 =	veq.s32 v12, $0x1;
	v14 =	vperm.xlane v6, v10  }
0x4c: {  	vm2 =	veq.s32 v11, $0x2;
	v15 =	vsel vm1, v16, v15;
	v16 =	vsel vm0, v18, v17  }
0x4d: {  	v17 =	vperm.xlane v5, v7;
	vm0 =	veq.s32 v9, $0x2;
	v18 =	vperm.xlane v5, v8  }
0x4e: {  	v13 =	vsel vm2, v19, v13;
	vm1 =	veq.s32 v12, $0x2;
	v19 =	vperm.xlane v5, v10  }
0x4f: {  	vm2 =	veq.s32 v11, $0x3;
	v15 =	vsel vm0, v20, v15;
	v20 =	vsel vm1, v14, v16  }
.Ltmp0:
0x50: {  	v21 =	vperm.xlane v3, v7;
	vm0 =	veq.s32 v9, $0x3;
	v14 =	vperm.xlane v3, v8;
	(pc) =	sbr.rel @p0 .LBB2_1-.Ltmp0, $4  }
0x51: {  	vm1 =	veq.s32 v12, $0x3;
	v16 =	vperm.xlane v3, v10;
	v17 =	vsel vm2, v17, v13  }
0x52: {  	vm2 =	veq.s32 v11, $0x4;
	v18 =	vsel vm0, v18, v15;
	v19 =	vsel vm1, v19, v20  }
0x53: {  	v15 =	vperm.xlane v1, v7;
	vm0 =	veq.s32 v9, $0x4;
	v13 =	vperm.xlane v1, v8  }
0x54: {  	s5 =	sshra.s32 s6, $0x2;
	s6 =	sadd.s32 $0x100, s6;
	vm1 =	veq.s32 v12, $0x4;
	v20 =	vsel vm2, v21, v17;
	v17 =	vperm.xlane v1, v10  }
0x55: {  	v21 =	vld [tilespmem:s5+$0xB0]  }
0x56: {  	vm2 =	veq.s32 v11, $0x5;
	v25 =	vld [tilespmem:s5+$0x80]  }
0x57: {  	v14 =	vsel vm0, v14, v18;
	v16 =	vsel vm1, v16, v19;
	v7 =	vperm.xlane v0, v7;
	v29 =	vld [tilespmem:s5+$0x90]  }
0x58: {  	vm11 =	veq.s32 v9, $0x5;
	v8 =	vperm.xlane v0, v8;
	vm12 =	veq.s32 v12, $0x5;
	v32 =	vld [tilespmem:s5+$0xA0]  }
0x59: {  	v10 =	vperm.xlane v0, v10;
	vm13 =	veq.s32 v11, $0x6;
	vm14 =	veq.s32 v9, $0x6  }
0x5a: {  	vm15 =	veq.s32 v12, $0x6;
	v15 =	vsel vm2, v15, v20;
	v22 =	vsel vm11, v13, v14  }
0x5b: {  	v23 =	vsel vm12, v17, v16;
	v7 =	vsel vm13, v7, v15;
	v8 =	vsel vm14, v8, v22  }
0x5c: {  	v10 =	vsel vm15, v10, v23;
	v24 =	vand.u32 $0xF, v21;
	v26 =	vshrl.u32 v21, $0x4  }
0x5d: {  	v34 =	vand.u32 $0xF, v25;
	v36 =	vand.u32 $0xF, v29;
	v38 =	vand.u32 $0xF, v32  }
0x5e: {  	v39 =	vshrl.u32 v25, $0x4;
	v17 =	vshrl.u32 v29, $0x4;
	v27 =	vperm.xlane v2, v24  }
0x5f: {  	v18 =	vshrl.u32 v32, $0x4;
	v28 =	vperm.xlane v4, v24;
	v30 =	vperm.xlane v6, v24  }
0x60: {  	vm4 =	veq.s32 v26, $0x1;
	v31 =	vperm.xlane v5, v24;
	v33 =	vperm.xlane v3, v24  }
0x61: {  	vm5 =	veq.s32 v26, $0x2;
	v35 =	vperm.xlane v1, v24;
	v9 =	vperm.xlane v0, v24  }
0x62: {  	vm6 =	veq.s32 v26, $0x3;
	v37 =	vperm.xlane v2, v34;
	v40 =	vperm.xlane v4, v34  }
0x63: {  	vm7 =	veq.s32 v26, $0x4;
	v41 =	vperm.xlane v2, v36;
	v42 =	vperm.xlane v4, v36  }
0x64: {  	vm8 =	veq.s32 v26, $0x5;
	v43 =	vperm.xlane v2, v38;
	v44 =	vperm.xlane v4, v38  }
0x65: {  	vm9 =	veq.s32 v26, $0x6;
	v45 =	vperm.xlane v6, v34;
	v46 =	vperm.xlane v6, v36  }
0x66: {  	vm10 =	veq.s32 v39, $0x1;
	v47 =	vperm.xlane v6, v38;
	v48 =	vperm.xlane v5, v34  }
0x67: {  	vm11 =	veq.s32 v17, $0x1;
	v49 =	vperm.xlane v5, v36;
	v50 =	vperm.xlane v5, v38  }
0x68: {  	vm12 =	veq.s32 v18, $0x1;
	v51 =	vperm.xlane v3, v34;
	v52 =	vperm.xlane v3, v36  }
0x69: {  	vm13 =	veq.s32 v39, $0x2;
	v53 =	vperm.xlane v3, v38;
	v55 =	vperm.xlane v1, v34  }
0x6a: {  	vm14 =	veq.s32 v17, $0x2;
	v56 =	vperm.xlane v1, v36;
	v57 =	vperm.xlane v1, v38  }
0x6b: {  	vm15 =	veq.s32 v18, $0x2;
	v59 =	vperm.xlane v0, v34;
	v60 =	vperm.xlane v0, v36  }
0x6c: {  	v61 =	vperm.xlane v0, v38;
	v15 =	vsel vm4, v28, v27;
	v12 =	vsel vm10, v40, v37  }
0x6d: {  	v19 =	vsel vm11, v42, v41;
	v2 =	vsel vm12, v44, v43;
	vm4 =	veq.s32 v39, $0x3  }
0x6e: {  	vm10 =	veq.s32 v39, $0x5;
	vm11 =	veq.s32 v17, $0x5;
	vm12 =	veq.s32 v18, $0x5  }
0x6f: {  	v11 =	vsel vm5, v30, v15;
	v12 =	vsel vm13, v45, v12;
	v14 =	vsel vm14, v46, v19  }
0x70: {  	v2 =	vsel vm15, v47, v2;
	vm5 =	veq.s32 v17, $0x3;
	vm13 =	veq.s32 v39, $0x6  }
0x71: {  	vm14 =	veq.s32 v17, $0x6;
	v11 =	vsel vm6, v31, v11;
	v4 =	vsel vm4, v48, v12  }
0x72: {  	vm6 =	veq.s32 v18, $0x3;
	v54 =	vsel vm5, v49, v14;
	v11 =	vsel vm7, v33, v11  }
0x73: {  	[tilespmem:s4+$0x480] =	vst v7;
	vm7 =	veq.s32 v39, $0x4;
	v2 =	vsel vm6, v50, v2;
	v11 =	vsel vm8, v35, v11  }
0x74: {  	[tilespmem:s4+$0x490] =	vst v8;
	vm8 =	veq.s32 v17, $0x4;
	v4 =	vsel vm7, v51, v4;
	v9 =	vsel vm9, v9, v11  }
0x75: {  	[tilespmem:s4+$0x4A0] =	vst v10;
	vm9 =	veq.s32 v18, $0x4;
	v58 =	vsel vm8, v52, v54;
	v4 =	vsel vm10, v55, v4  }
0x76: {  	v2 =	vsel vm9, v53, v2;
	[tilespmem:s5+$0x4B0] =	vst v9;
	v62 =	vsel vm11, v56, v58;
	v3 =	vsel vm13, v59, v4  }
0x77: {  	vm15 =	veq.s32 v18, $0x6;
	v1 =	vsel vm12, v57, v2;
	[tilespmem:s5+$0x480] =	vst v3;
	v63 =	vsel vm14, v60, v62  }
0x78: {  	s2 =	sadd.s32 s2, s3;
	v0 =	vsel vm15, v61, v1;
	[tilespmem:s5+$0x490] =	vst v63  }
0x79: {  	s29 =	simm.s32 $0x0;
	s30 =	simm.s32 $0x480;
	s31 =	simm.s32 $0x3;
	[tilespmem:s5+$0x4A0] =	vst v0  }
0x7a: {  	[hbm4b:s2+s29] =	stream.linear.scatter [tilespmem:s30], [sflag:$0x3], $0x400, $0x38;
	[tilespmem:$0x880] =	vst v63  }
0x7b: {  	_ =	swait.ge [sflag:s31], $0x400  }
0x7c: {  	[sflag:s31] =	ssyncset.done $0x0  }
0x7d: {  	[sflag:s31] =	ssyncadd.s32 $0xFFFFFC00  }
0x7e: {  	_ =	sfence.sel $0x180000  }
0x7f: {  	[bflag:$0x0] =	sbarrier.arrive $0xFFFF  }
0x80: {  	p0 =	sne.s32 s1, $0x0;
	_ =	strace $0x90000047  }
0x81: {  	s0 =	sadd.s32 @!p0 $0x100000, s0;
	[bflag:$0x2] =	sbarrier.arrive $0xFFFF  }
0x82: {  	[sflag:s0] =	ssyncadd.tile.s32 @!p0 $0x1;
	_ =	shalt  }
.Lfunc_end2:
_tile_overlayer_lowered:
.L_overlay_start_2:
0x83: {  	(tag) =	ssettag $0x2  }
0x84: {  	s0 =	rddreg [dreg:$0x0];
	s2 =	stileid.u32  }
0x85: {  	s1 =	rddreg [dreg:$0x1];
	p0 =	sne.s32 s2, $0x0  }
0x86: {  	s3 =	rddreg [dreg:$0x2];
	[bflag:$0x3] =	sbarrier.arrive $0xFFFF;
	s2 =	simm.s32 @!p0 $0x1C03  }
0x87: {  	[timem:s3], [sflag:s2] =	dma.local @!p0 [hbm:s0], s1  }
0x88: {  	s0 =	simm.s32 @!p0 $0x3  }
0x89: {  	_ =	swait.ge @!p0 [sflag:s0], s1  }
0x8a: {  	s1 =	ssub.s32 @!p0 $0x0, s1;
	[sflag:s0] =	ssyncset.done @!p0 $0x0  }
0x8b: {  	[sflag:s0] =	ssyncadd.s32 @!p0 s1  }
0x8c: {  	[bflag:$0x3] =	sbarrier.arrive $0xFFFF  }
0x8d: {  	_ =	shalt  }

</sc_bundles>
